<compile_context>
chip_gen: v7x
topology: tpu7x:2x2x1
jax: 0.10.2.dev20260603
libtpu: 0.0.44.dev20260713+nightly
codegen_flags: <defaults>
</compile_context>

<pallas_src>
import functools

import jax
import jax.numpy as jnp
import numpy as np
from jax import lax
from jax.experimental import pallas as pl
from jax.experimental.pallas import tpu as pltpu
from jax.experimental.pallas import tpu_sc as plsc

_PAD_ID = 0
_MASK_ID = 3
_VOCAB_SIZE = 33
_SEQ = 4096
_NPATCH = 1024
_PSIZE = 4
_NCORES = 1
_NSUB = 16
_NWORK = _NCORES * _NSUB
_TOK_W = _SEQ // _NWORK
_PATCH_W = _NPATCH // _NWORK
_VECS = _TOK_W // 16


def _threefry2x32(k1, k2, x0, x1):
    rots = ((13, 15, 26, 6), (17, 29, 16, 24))
    ks0 = np.uint32(k1)
    ks1 = np.uint32(k2)
    ks2 = ks0 ^ ks1 ^ np.uint32(0x1BD11BDA)
    ks = (ks0, ks1, ks2)
    x0 = x0.astype(np.uint32) + ks0
    x1 = x1.astype(np.uint32) + ks1
    for i in range(5):
        for r in rots[i % 2]:
            x0 = x0 + x1
            x1 = (x1 << np.uint32(r)) | (x1 >> np.uint32(32 - r))
            x1 = x1 ^ x0
        x0 = x0 + ks[(i + 1) % 3]
        x1 = x1 + ks[(i + 2) % 3] + np.uint32(i + 1)
    return x0, x1


def _random_bits(key, n):
    lo = np.arange(n, dtype=np.uint32)
    hi = np.zeros(n, dtype=np.uint32)
    b0, b1 = _threefry2x32(key[0], key[1], hi, lo)
    return b0 ^ b1


def _uniform_f32(key, n):
    bits = _random_bits(key, n)
    fb = (bits >> np.uint32(9)) | np.uint32(0x3F800000)
    return fb.view(np.float32) - np.float32(1.0)


def _build_rng_consts():
    s0, s1 = _threefry2x32(0, 42, np.zeros(4, np.uint32),
                           np.arange(4, dtype=np.uint32))
    keys = [(s0[i], s1[i]) for i in range(4)]
    cand = _uniform_f32(keys[0], _SEQ) < np.float32(0.15)
    rep = _uniform_f32(keys[1], _SEQ) < np.float32(0.8)
    rnd = _uniform_f32(keys[2], _SEQ) < np.float32(0.5)
    t0, t1 = _threefry2x32(keys[3][0], keys[3][1],
                           np.zeros(2, np.uint32), np.arange(2, dtype=np.uint32))
    span = np.uint32(_VOCAB_SIZE - 4)
    higher = _random_bits((t0[0], t1[0]), _SEQ)
    lower = _random_bits((t0[1], t1[1]), _SEQ)
    mult = (np.uint32(2 ** 16) % span)
    mult = (mult * mult) % span
    toks = (((higher % span) * mult + (lower % span)) % span).astype(np.int32) + 4
    repl = np.where(rep, _MASK_ID, np.where(rnd, toks, -1))
    return (cand.astype(np.int32) << 8) | (repl.astype(np.int32) + 1)


_PACKED_NP = _build_rng_consts()


def _sc_body(ids_hbm, ent_hbm, pk_hbm,
             out_hbm, plen_hbm, lab_hbm, sc_hbm,
             ids_v, ent_v, pk_v,
             out_v, att_v, lab_v, ew_v,
             plen_v, sc_v, sem):
    wid = lax.axis_index("s") * _NCORES + lax.axis_index("c")
    tb = wid * _TOK_W
    pb = wid * _PATCH_W
    in_cps = [
        pltpu.async_copy(ids_hbm.at[0, pl.ds(tb, _TOK_W)], ids_v, sem),
        pltpu.async_copy(ent_hbm.at[0, pl.ds(tb, _TOK_W)], ent_v, sem),
        pltpu.async_copy(pk_hbm.at[0, pl.ds(tb, _TOK_W)], pk_v, sem),
    ]
    for cp in in_cps:
        cp.wait()

    for _i in range(_VECS):
        s = pl.ds(_i * 16, 16)
        v = ids_v[s]
        p = pk_v[s]
        masked = (p >= 256) & (v >= 4)
        r = (p & 255) - 1
        lab_v[s] = jnp.where(masked, v, -100)
        out_v[s] = jnp.where(masked & (r >= 0), r, v)
        nonpad = v != _PAD_ID
        att_v[s] = nonpad.astype(jnp.int32)
        ew_v[s] = jnp.where(nonpad, ent_v[s], 0.0)

    base4 = lax.iota(jnp.int32, 16) * 4

    def _patch_step(j, carry):
        idx = base4 + j * 64
        s16 = pl.ds(j * 16, 16)
        pe = plsc.load_gather(ew_v, [idx])
        pe = pe + plsc.load_gather(ew_v, [idx + 1])
        pe = pe + plsc.load_gather(ew_v, [idx + 2])
        pe = pe + plsc.load_gather(ew_v, [idx + 3])
        sc_v[s16] = pe
        pc = plsc.load_gather(att_v, [idx])
        pc = pc + plsc.load_gather(att_v, [idx + 1])
        pc = pc + plsc.load_gather(att_v, [idx + 2])
        pc = pc + plsc.load_gather(att_v, [idx + 3])
        plen_v[s16] = pc
        return carry

    for _j in range(_PATCH_W // 16):
        _patch_step(_j, 0)

    out_cps = [
        pltpu.async_copy(out_v, out_hbm.at[0, pl.ds(tb, _TOK_W)], sem),
        pltpu.async_copy(lab_v, lab_hbm.at[0, pl.ds(tb, _TOK_W)], sem),
        pltpu.async_copy(plen_v, plen_hbm.at[0, pl.ds(pb, _PATCH_W)], sem),
        pltpu.async_copy(sc_v, sc_hbm.at[0, pl.ds(pb, _PATCH_W)], sem),
    ]
    for cp in out_cps:
        cp.wait()


@functools.cache
def _get_sc_call():
    mesh = plsc.VectorSubcoreMesh(
        core_axis_name="c", subcore_axis_name="s",
        num_cores=_NCORES, num_subcores=_NSUB)
    return pl.kernel(
        _sc_body,
        out_type=(
            jax.ShapeDtypeStruct((1, _SEQ), jnp.int32),
            jax.ShapeDtypeStruct((1, _NPATCH), jnp.int32),
            jax.ShapeDtypeStruct((1, _SEQ), jnp.int32),
            jax.ShapeDtypeStruct((1, _NPATCH), jnp.float32),
        ),
        mesh=mesh,
        scratch_types=[
            pltpu.VMEM((_TOK_W,), jnp.int32),
            pltpu.VMEM((_TOK_W,), jnp.float32),
            pltpu.VMEM((_TOK_W,), jnp.int32),
            pltpu.VMEM((_TOK_W,), jnp.int32),
            pltpu.VMEM((_TOK_W,), jnp.int32),
            pltpu.VMEM((_TOK_W,), jnp.int32),
            pltpu.VMEM((_TOK_W,), jnp.float32),
            pltpu.VMEM((_PATCH_W,), jnp.int32),
            pltpu.VMEM((_PATCH_W,), jnp.float32),
            pltpu.SemaphoreType.DMA,
        ],
        name="patchifier_transform_sc",
        compiler_params=pltpu.CompilerParams(needs_layout_passes=False),
    )


def kernel(input_ids, entropies):
    out, plen, lab, sc = _get_sc_call()(
        input_ids, entropies, jnp.asarray(_PACKED_NP).reshape(1, _SEQ))
    att = input_ids != _PAD_ID
    attp = input_ids.reshape(1, _NPATCH, _PSIZE)[:, :, 0] != _PAD_ID
    return (out, att, plen, attp, lab, sc)

# --- scband reference (transcript-rebuilt; emitter-appended) ---
"""Pipeline reference for scband-patchifier-transform-30734785970431 (READ-ONLY COPY).

The authoritative reference and input builder live on the scoring server;
editing this copy changes nothing except your own understanding.
"""

import jax, jax.numpy as jnp
import numpy as np

PAD_ID = 0
CLS_ID = 1
EOS_ID = 2
MASK_ID = 3
VOCAB_SIZE = 33
MAX_SEQ_LENGTH = 4096
MAX_NUM_PATCHES = 1024
PATCH_SIZE = 4
RESIDUE_MASK_PROB = 0.15
SEED = 42


def setup_inputs(seed: int = 0):
    key = jax.random.key(seed)
    L = 3000
    ids = jax.random.randint(key, (1, MAX_SEQ_LENGTH), 4, VOCAB_SIZE)
    pos = jnp.arange(MAX_SEQ_LENGTH)[None, :]
    ids = jnp.where(pos == 0, CLS_ID, ids)
    ids = jnp.where(pos == L - 1, EOS_ID, ids)
    ids = jnp.where(pos >= L, PAD_ID, ids)
    entropies = jax.random.uniform(jax.random.fold_in(key, 1), (1, MAX_SEQ_LENGTH), dtype=jnp.float32)
    return {"input_ids": ids, "entropies": entropies}


def reference(input_ids, entropies):
    key = jax.random.key(SEED)
    seq_len = jnp.sum(input_ids != PAD_ID)
    # static patching: fixed-size patches of PATCH_SIZE over non-pad tokens,
    # zero-padded out to MAX_NUM_PATCHES (4096/4 == 1024 so no truncation branch)
    pidx = jnp.arange(MAX_NUM_PATCHES)
    patch_lengths = jnp.clip(seq_len - pidx * PATCH_SIZE, 0, PATCH_SIZE)[None, :].astype(jnp.int32)
    # MLM masking (residue-level branch: patch_mask_probability == 0.0)
    pad_mask = input_ids == PAD_ID
    cls_mask = input_ids == CLS_ID
    eos_mask = input_ids == EOS_ID
    prob = jnp.where(pad_mask | cls_mask | eos_mask, 0.0, RESIDUE_MASK_PROB)
    k1, k2, k3, k4 = jax.random.split(key, 4)
    masked_ids = jax.random.uniform(k1, input_ids.shape) < prob
    labels = jnp.where(masked_ids, input_ids, -100)
    replaced = (jax.random.uniform(k2, input_ids.shape) < 0.8) & masked_ids
    out_ids = jnp.where(replaced, MASK_ID, input_ids)
    random_ids = (jax.random.uniform(k3, input_ids.shape) < 0.5) & masked_ids & (~replaced)
    rand_tokens = jax.random.randint(k4, input_ids.shape, 4, VOCAB_SIZE)
    out_ids = jnp.where(random_ids, rand_tokens, out_ids)
    attention_mask = out_ids != PAD_ID
    attention_mask_patch = patch_lengths != 0
    # patcher scores: per-patch aggregate of entropies over non-pad tokens
    seg_ids = jnp.minimum(jnp.arange(MAX_SEQ_LENGTH) // PATCH_SIZE, MAX_NUM_PATCHES - 1)
    tok_mask = (~pad_mask[0]).astype(entropies.dtype)
    scores = jax.ops.segment_sum(entropies[0] * tok_mask, seg_ids, num_segments=MAX_NUM_PATCHES)[None, :]
    return out_ids, attention_mask, patch_lengths, attention_mask_patch, labels, scores

if __name__ == "__main__":
    import jax
    _d = setup_inputs()
    print(jax.jit(kernel)(*tuple(_d.values())))

</pallas_src>

<mosaic_0001>
#map = affine_map<(d0, d1) -> (0, 0)>
module attributes {stable_mosaic.version = 14 : i64} {
  func.func @patchifier_transform_sc(%arg0: i32, %arg1: i32, %arg2: memref<1x4096xi32, #tpu.memory_space<hbm>>, %arg3: memref<1x4096xf32, #tpu.memory_space<hbm>>, %arg4: memref<1x4096xi32, #tpu.memory_space<hbm>>, %arg5: memref<1x4096xi32, #tpu.memory_space<hbm>>, %arg6: memref<1x1024xi32, #tpu.memory_space<hbm>>, %arg7: memref<1x4096xi32, #tpu.memory_space<hbm>>, %arg8: memref<1x1024xf32, #tpu.memory_space<hbm>>, %arg9: memref<256xi32, #tpu.memory_space<vmem>>, %arg10: memref<256xf32, #tpu.memory_space<vmem>>, %arg11: memref<256xi32, #tpu.memory_space<vmem>>, %arg12: memref<256xi32, #tpu.memory_space<vmem>>, %arg13: memref<256xi32, #tpu.memory_space<vmem>>, %arg14: memref<256xi32, #tpu.memory_space<vmem>>, %arg15: memref<256xf32, #tpu.memory_space<vmem>>, %arg16: memref<64xi32, #tpu.memory_space<vmem>>, %arg17: memref<64xf32, #tpu.memory_space<vmem>>, %arg18: memref<!tpu.dma_semaphore, #tpu.memory_space<semaphore_mem>>) attributes {dimension_semantics = [#tpu.dimension_semantics<core_parallel>, #tpu.dimension_semantics<subcore_parallel>], iteration_bounds = array<i64: 1, 16>, scalar_prefetch = 0 : i64, scratch_operands = 10 : i64, tpu.core_type = #tpu.core_type<sc_vector_subcore>, window_params = [{transform_indices = #map}, {transform_indices = #map}, {transform_indices = #map}, {transform_indices = #map}, {transform_indices = #map}, {transform_indices = #map}, {transform_indices = #map}]} {
    %mul3A = arith.constant 1 : i32
    %mul3A_0 = arith.muli %arg1, %mul3A : i32
    %add3A = arith.addi %mul3A_0, %arg0 : i32
    %mul3A_1 = arith.constant 256 : i32
    %mul3A_2 = arith.muli %add3A, %mul3A_1 : i32
    %mul3A_3 = arith.constant 64 : i32
    %mul3A_4 = arith.muli %add3A, %mul3A_3 : i32
    %dma_start3A = arith.constant 0 : i32
    %dma_start3A_5 = tpu.memref_slice %arg2[%dma_start3A, %mul3A_2] : memref<1x4096xi32, #tpu.memory_space<hbm>> -> memref<1x256xi32, #tpu.memory_space<hbm>>
    %dma_start3A_6 = tpu.memref_squeeze %dma_start3A_5 : memref<1x256xi32, #tpu.memory_space<hbm>> -> memref<256xi32, #tpu.memory_space<hbm>>
    %dma_start3A_7 = tpu.memref_slice %arg2[%dma_start3A, %mul3A_2] : memref<1x4096xi32, #tpu.memory_space<hbm>> -> memref<1x256xi32, #tpu.memory_space<hbm>>
    %dma_start3A_8 = tpu.memref_squeeze %dma_start3A_7 : memref<1x256xi32, #tpu.memory_space<hbm>> -> memref<256xi32, #tpu.memory_space<hbm>>
    tpu.enqueue_dma source(%dma_start3A_8 : memref<256xi32, #tpu.memory_space<hbm>>) target(%arg9 : memref<256xi32, #tpu.memory_space<vmem>>) target_semaphore(%arg18 : memref<!tpu.dma_semaphore, #tpu.memory_space<semaphore_mem>>)
    %dma_start3A_9 = arith.constant 0 : i32
    %dma_start3A_10 = tpu.memref_slice %arg3[%dma_start3A_9, %mul3A_2] : memref<1x4096xf32, #tpu.memory_space<hbm>> -> memref<1x256xf32, #tpu.memory_space<hbm>>
    %dma_start3A_11 = tpu.memref_squeeze %dma_start3A_10 : memref<1x256xf32, #tpu.memory_space<hbm>> -> memref<256xf32, #tpu.memory_space<hbm>>
    %dma_start3A_12 = tpu.memref_slice %arg3[%dma_start3A_9, %mul3A_2] : memref<1x4096xf32, #tpu.memory_space<hbm>> -> memref<1x256xf32, #tpu.memory_space<hbm>>
    %dma_start3A_13 = tpu.memref_squeeze %dma_start3A_12 : memref<1x256xf32, #tpu.memory_space<hbm>> -> memref<256xf32, #tpu.memory_space<hbm>>
    tpu.enqueue_dma source(%dma_start3A_13 : memref<256xf32, #tpu.memory_space<hbm>>) target(%arg10 : memref<256xf32, #tpu.memory_space<vmem>>) target_semaphore(%arg18 : memref<!tpu.dma_semaphore, #tpu.memory_space<semaphore_mem>>)
    %dma_start3A_14 = arith.constant 0 : i32
    %dma_start3A_15 = tpu.memref_slice %arg4[%dma_start3A_14, %mul3A_2] : memref<1x4096xi32, #tpu.memory_space<hbm>> -> memref<1x256xi32, #tpu.memory_space<hbm>>
    %dma_start3A_16 = tpu.memref_squeeze %dma_start3A_15 : memref<1x256xi32, #tpu.memory_space<hbm>> -> memref<256xi32, #tpu.memory_space<hbm>>
    %dma_start3A_17 = tpu.memref_slice %arg4[%dma_start3A_14, %mul3A_2] : memref<1x4096xi32, #tpu.memory_space<hbm>> -> memref<1x256xi32, #tpu.memory_space<hbm>>
    %dma_start3A_18 = tpu.memref_squeeze %dma_start3A_17 : memref<1x256xi32, #tpu.memory_space<hbm>> -> memref<256xi32, #tpu.memory_space<hbm>>
    tpu.enqueue_dma source(%dma_start3A_18 : memref<256xi32, #tpu.memory_space<hbm>>) target(%arg11 : memref<256xi32, #tpu.memory_space<vmem>>) target_semaphore(%arg18 : memref<!tpu.dma_semaphore, #tpu.memory_space<semaphore_mem>>)
    %dma_wait3A = arith.constant 0 : i32
    %dma_wait3A_19 = tpu.memref_slice %arg2[%dma_wait3A, %mul3A_2] : memref<1x4096xi32, #tpu.memory_space<hbm>> -> memref<1x256xi32, #tpu.memory_space<hbm>>
    %dma_wait3A_20 = tpu.memref_squeeze %dma_wait3A_19 : memref<1x256xi32, #tpu.memory_space<hbm>> -> memref<256xi32, #tpu.memory_space<hbm>>
    %dma_wait3A_21 = tpu.memref_slice %arg2[%dma_wait3A, %mul3A_2] : memref<1x4096xi32, #tpu.memory_space<hbm>> -> memref<1x256xi32, #tpu.memory_space<hbm>>
    %dma_wait3A_22 = tpu.memref_squeeze %dma_wait3A_21 : memref<1x256xi32, #tpu.memory_space<hbm>> -> memref<256xi32, #tpu.memory_space<hbm>>
    tpu.wait_dma2 semaphore(%arg18 : memref<!tpu.dma_semaphore, #tpu.memory_space<semaphore_mem>>) src(%dma_wait3A_22 : memref<256xi32, #tpu.memory_space<hbm>>) dst(%arg9 : memref<256xi32, #tpu.memory_space<vmem>>)
    %dma_wait3A_23 = arith.constant 0 : i32
    %dma_wait3A_24 = tpu.memref_slice %arg3[%dma_wait3A_23, %mul3A_2] : memref<1x4096xf32, #tpu.memory_space<hbm>> -> memref<1x256xf32, #tpu.memory_space<hbm>>
    %dma_wait3A_25 = tpu.memref_squeeze %dma_wait3A_24 : memref<1x256xf32, #tpu.memory_space<hbm>> -> memref<256xf32, #tpu.memory_space<hbm>>
    %dma_wait3A_26 = tpu.memref_slice %arg3[%dma_wait3A_23, %mul3A_2] : memref<1x4096xf32, #tpu.memory_space<hbm>> -> memref<1x256xf32, #tpu.memory_space<hbm>>
    %dma_wait3A_27 = tpu.memref_squeeze %dma_wait3A_26 : memref<1x256xf32, #tpu.memory_space<hbm>> -> memref<256xf32, #tpu.memory_space<hbm>>
    tpu.wait_dma2 semaphore(%arg18 : memref<!tpu.dma_semaphore, #tpu.memory_space<semaphore_mem>>) src(%dma_wait3A_27 : memref<256xf32, #tpu.memory_space<hbm>>) dst(%arg10 : memref<256xf32, #tpu.memory_space<vmem>>)
    %dma_wait3A_28 = arith.constant 0 : i32
    %dma_wait3A_29 = tpu.memref_slice %arg4[%dma_wait3A_28, %mul3A_2] : memref<1x4096xi32, #tpu.memory_space<hbm>> -> memref<1x256xi32, #tpu.memory_space<hbm>>
    %dma_wait3A_30 = tpu.memref_squeeze %dma_wait3A_29 : memref<1x256xi32, #tpu.memory_space<hbm>> -> memref<256xi32, #tpu.memory_space<hbm>>
    %dma_wait3A_31 = tpu.memref_slice %arg4[%dma_wait3A_28, %mul3A_2] : memref<1x4096xi32, #tpu.memory_space<hbm>> -> memref<1x256xi32, #tpu.memory_space<hbm>>
    %dma_wait3A_32 = tpu.memref_squeeze %dma_wait3A_31 : memref<1x256xi32, #tpu.memory_space<hbm>> -> memref<256xi32, #tpu.memory_space<hbm>>
    tpu.wait_dma2 semaphore(%arg18 : memref<!tpu.dma_semaphore, #tpu.memory_space<semaphore_mem>>) src(%dma_wait3A_32 : memref<256xi32, #tpu.memory_space<hbm>>) dst(%arg11 : memref<256xi32, #tpu.memory_space<vmem>>)
    %get3A = arith.constant 0 : index
    %get3A_33 = tpu.vector_load %arg9[%get3A] {strides = array<i32>} : memref<256xi32, #tpu.memory_space<vmem>>, vector<16xi32>,
    %get3A_34 = arith.constant 0 : index
    %get3A_35 = tpu.vector_load %arg11[%get3A_34] {strides = array<i32>} : memref<256xi32, #tpu.memory_space<vmem>>, vector<16xi32>,
    %ge3A = arith.constant 256 : i32
    %ge3A_36 = vector.broadcast %ge3A : i32 to vector<16xi32>
    %ge3A_37 = arith.cmpi sge, %get3A_35, %ge3A_36 : vector<16xi32>
    %ge3A_38 = arith.constant 4 : i32
    %ge3A_39 = vector.broadcast %ge3A_38 : i32 to vector<16xi32>
    %ge3A_40 = arith.cmpi sge, %get3A_33, %ge3A_39 : vector<16xi32>
    %and3A = arith.andi %ge3A_37, %ge3A_40 : vector<16xi1>
    %and3A_41 = arith.constant 255 : i32
    %and3A_42 = vector.broadcast %and3A_41 : i32 to vector<16xi32>
    %and3A_43 = arith.andi %get3A_35, %and3A_42 : vector<16xi32>
    %sub3A = arith.constant 1 : i32
    %sub3A_44 = vector.broadcast %sub3A : i32 to vector<16xi32>
    %sub3A_45 = arith.subi %and3A_43, %sub3A_44 : vector<16xi32>
    %jit3A = arith.constant -100 : i32
    %broadcast_in_dim3A = vector.broadcast %jit3A : i32 to vector<16xi32>
    %select_n3A = arith.select %and3A, %get3A_33, %broadcast_in_dim3A : vector<16xi1>, vector<16xi32>
    %swap3A = arith.constant 0 : index
    %swap3A_46 = tpu.vector_load %arg14[%swap3A] {strides = array<i32>} : memref<256xi32, #tpu.memory_space<vmem>>, vector<16xi32>,
    tpu.vector_store %arg14[%swap3A], %select_n3A {strides = array<i32>} : memref<256xi32, #tpu.memory_space<vmem>>, vector<16xi32>,
    %ge3A_47 = arith.constant 0 : i32
    %ge3A_48 = vector.broadcast %ge3A_47 : i32 to vector<16xi32>
    %ge3A_49 = arith.cmpi sge, %sub3A_45, %ge3A_48 : vector<16xi32>
    %and3A_50 = arith.andi %and3A, %ge3A_49 : vector<16xi1>
    %select_n3A_51 = arith.select %and3A_50, %sub3A_45, %get3A_33 : vector<16xi1>, vector<16xi32>
    %swap3A_52 = arith.constant 0 : index
    %swap3A_53 = tpu.vector_load %arg12[%swap3A_52] {strides = array<i32>} : memref<256xi32, #tpu.memory_space<vmem>>, vector<16xi32>,
    tpu.vector_store %arg12[%swap3A_52], %select_n3A_51 {strides = array<i32>} : memref<256xi32, #tpu.memory_space<vmem>>, vector<16xi32>,
    %ne3A = arith.constant 0 : i32
    %ne3A_54 = vector.broadcast %ne3A : i32 to vector<16xi32>
    %ne3A_55 = arith.cmpi ne, %get3A_33, %ne3A_54 : vector<16xi32>
    %convert_element_type3A = arith.extui %ne3A_55 : vector<16xi1> to vector<16xi32>
    %swap3A_56 = arith.constant 0 : index
    %swap3A_57 = tpu.vector_load %arg13[%swap3A_56] {strides = array<i32>} : memref<256xi32, #tpu.memory_space<vmem>>, vector<16xi32>,
    tpu.vector_store %arg13[%swap3A_56], %convert_element_type3A {strides = array<i32>} : memref<256xi32, #tpu.memory_space<vmem>>, vector<16xi32>,
    %get3A_58 = arith.constant 0 : index
    %get3A_59 = tpu.vector_load %arg10[%get3A_58] {strides = array<i32>} : memref<256xf32, #tpu.memory_space<vmem>>, vector<16xf32>,
    %jit3A_60 = arith.constant 0.000000e+00 : f32
    %broadcast_in_dim3A_61 = vector.broadcast %jit3A_60 : f32 to vector<16xf32>
    %select_n3A_62 = arith.select %ne3A_55, %get3A_59, %broadcast_in_dim3A_61 : vector<16xi1>, vector<16xf32>
    %swap3A_63 = arith.constant 0 : index
    %swap3A_64 = tpu.vector_load %arg15[%swap3A_63] {strides = array<i32>} : memref<256xf32, #tpu.memory_space<vmem>>, vector<16xf32>,
    tpu.vector_store %arg15[%swap3A_63], %select_n3A_62 {strides = array<i32>} : memref<256xf32, #tpu.memory_space<vmem>>, vector<16xf32>,
    %get3A_65 = arith.constant 16 : index
    %get3A_66 = tpu.vector_load %arg9[%get3A_65] {strides = array<i32>} : memref<256xi32, #tpu.memory_space<vmem>>, vector<16xi32>,
    %get3A_67 = arith.constant 16 : index
    %get3A_68 = tpu.vector_load %arg11[%get3A_67] {strides = array<i32>} : memref<256xi32, #tpu.memory_space<vmem>>, vector<16xi32>,
    %ge3A_69 = arith.constant 256 : i32
    %ge3A_70 = vector.broadcast %ge3A_69 : i32 to vector<16xi32>
    %ge3A_71 = arith.cmpi sge, %get3A_68, %ge3A_70 : vector<16xi32>
    %ge3A_72 = arith.constant 4 : i32
    %ge3A_73 = vector.broadcast %ge3A_72 : i32 to vector<16xi32>
    %ge3A_74 = arith.cmpi sge, %get3A_66, %ge3A_73 : vector<16xi32>
    %and3A_75 = arith.andi %ge3A_71, %ge3A_74 : vector<16xi1>
    %and3A_76 = arith.constant 255 : i32
    %and3A_77 = vector.broadcast %and3A_76 : i32 to vector<16xi32>
    %and3A_78 = arith.andi %get3A_68, %and3A_77 : vector<16xi32>
    %sub3A_79 = arith.constant 1 : i32
    %sub3A_80 = vector.broadcast %sub3A_79 : i32 to vector<16xi32>
    %sub3A_81 = arith.subi %and3A_78, %sub3A_80 : vector<16xi32>
    %jit3A_82 = arith.constant -100 : i32
    %broadcast_in_dim3A_83 = vector.broadcast %jit3A_82 : i32 to vector<16xi32>
    %select_n3A_84 = arith.select %and3A_75, %get3A_66, %broadcast_in_dim3A_83 : vector<16xi1>, vector<16xi32>
    %swap3A_85 = arith.constant 16 : index
    %swap3A_86 = tpu.vector_load %arg14[%swap3A_85] {strides = array<i32>} : memref<256xi32, #tpu.memory_space<vmem>>, vector<16xi32>,
    tpu.vector_store %arg14[%swap3A_85], %select_n3A_84 {strides = array<i32>} : memref<256xi32, #tpu.memory_space<vmem>>, vector<16xi32>,
    %ge3A_87 = arith.constant 0 : i32
    %ge3A_88 = vector.broadcast %ge3A_87 : i32 to vector<16xi32>
    %ge3A_89 = arith.cmpi sge, %sub3A_81, %ge3A_88 : vector<16xi32>
    %and3A_90 = arith.andi %and3A_75, %ge3A_89 : vector<16xi1>
    %select_n3A_91 = arith.select %and3A_90, %sub3A_81, %get3A_66 : vector<16xi1>, vector<16xi32>
    %swap3A_92 = arith.constant 16 : index
    %swap3A_93 = tpu.vector_load %arg12[%swap3A_92] {strides = array<i32>} : memref<256xi32, #tpu.memory_space<vmem>>, vector<16xi32>,
    tpu.vector_store %arg12[%swap3A_92], %select_n3A_91 {strides = array<i32>} : memref<256xi32, #tpu.memory_space<vmem>>, vector<16xi32>,
    %ne3A_94 = arith.constant 0 : i32
    %ne3A_95 = vector.broadcast %ne3A_94 : i32 to vector<16xi32>
    %ne3A_96 = arith.cmpi ne, %get3A_66, %ne3A_95 : vector<16xi32>
    %convert_element_type3A_97 = arith.extui %ne3A_96 : vector<16xi1> to vector<16xi32>
    %swap3A_98 = arith.constant 16 : index
    %swap3A_99 = tpu.vector_load %arg13[%swap3A_98] {strides = array<i32>} : memref<256xi32, #tpu.memory_space<vmem>>, vector<16xi32>,
    tpu.vector_store %arg13[%swap3A_98], %convert_element_type3A_97 {strides = array<i32>} : memref<256xi32, #tpu.memory_space<vmem>>, vector<16xi32>,
    %get3A_100 = arith.constant 16 : index
    %get3A_101 = tpu.vector_load %arg10[%get3A_100] {strides = array<i32>} : memref<256xf32, #tpu.memory_space<vmem>>, vector<16xf32>,
    %jit3A_102 = arith.constant 0.000000e+00 : f32
    %broadcast_in_dim3A_103 = vector.broadcast %jit3A_102 : f32 to vector<16xf32>
    %select_n3A_104 = arith.select %ne3A_96, %get3A_101, %broadcast_in_dim3A_103 : vector<16xi1>, vector<16xf32>
    %swap3A_105 = arith.constant 16 : index
    %swap3A_106 = tpu.vector_load %arg15[%swap3A_105] {strides = array<i32>} : memref<256xf32, #tpu.memory_space<vmem>>, vector<16xf32>,
    tpu.vector_store %arg15[%swap3A_105], %select_n3A_104 {strides = array<i32>} : memref<256xf32, #tpu.memory_space<vmem>>, vector<16xf32>,
    %get3A_107 = arith.constant 32 : index
    %get3A_108 = tpu.vector_load %arg9[%get3A_107] {strides = array<i32>} : memref<256xi32, #tpu.memory_space<vmem>>, vector<16xi32>,
    %get3A_109 = arith.constant 32 : index
    %get3A_110 = tpu.vector_load %arg11[%get3A_109] {strides = array<i32>} : memref<256xi32, #tpu.memory_space<vmem>>, vector<16xi32>,
    %ge3A_111 = arith.constant 256 : i32
    %ge3A_112 = vector.broadcast %ge3A_111 : i32 to vector<16xi32>
    %ge3A_113 = arith.cmpi sge, %get3A_110, %ge3A_112 : vector<16xi32>
    %ge3A_114 = arith.constant 4 : i32
    %ge3A_115 = vector.broadcast %ge3A_114 : i32 to vector<16xi32>
    %ge3A_116 = arith.cmpi sge, %get3A_108, %ge3A_115 : vector<16xi32>
    %and3A_117 = arith.andi %ge3A_113, %ge3A_116 : vector<16xi1>
    %and3A_118 = arith.constant 255 : i32
    %and3A_119 = vector.broadcast %and3A_118 : i32 to vector<16xi32>
    %and3A_120 = arith.andi %get3A_110, %and3A_119 : vector<16xi32>
    %sub3A_121 = arith.constant 1 : i32
    %sub3A_122 = vector.broadcast %sub3A_121 : i32 to vector<16xi32>
    %sub3A_123 = arith.subi %and3A_120, %sub3A_122 : vector<16xi32>
    %jit3A_124 = arith.constant -100 : i32
    %broadcast_in_dim3A_125 = vector.broadcast %jit3A_124 : i32 to vector<16xi32>
    %select_n3A_126 = arith.select %and3A_117, %get3A_108, %broadcast_in_dim3A_125 : vector<16xi1>, vector<16xi32>
    %swap3A_127 = arith.constant 32 : index
    %swap3A_128 = tpu.vector_load %arg14[%swap3A_127] {strides = array<i32>} : memref<256xi32, #tpu.memory_space<vmem>>, vector<16xi32>,
    tpu.vector_store %arg14[%swap3A_127], %select_n3A_126 {strides = array<i32>} : memref<256xi32, #tpu.memory_space<vmem>>, vector<16xi32>,
    %ge3A_129 = arith.constant 0 : i32
    %ge3A_130 = vector.broadcast %ge3A_129 : i32 to vector<16xi32>
    %ge3A_131 = arith.cmpi sge, %sub3A_123, %ge3A_130 : vector<16xi32>
    %and3A_132 = arith.andi %and3A_117, %ge3A_131 : vector<16xi1>
    %select_n3A_133 = arith.select %and3A_132, %sub3A_123, %get3A_108 : vector<16xi1>, vector<16xi32>
    %swap3A_134 = arith.constant 32 : index
    %swap3A_135 = tpu.vector_load %arg12[%swap3A_134] {strides = array<i32>} : memref<256xi32, #tpu.memory_space<vmem>>, vector<16xi32>,
    tpu.vector_store %arg12[%swap3A_134], %select_n3A_133 {strides = array<i32>} : memref<256xi32, #tpu.memory_space<vmem>>, vector<16xi32>,
    %ne3A_136 = arith.constant 0 : i32
    %ne3A_137 = vector.broadcast %ne3A_136 : i32 to vector<16xi32>
    %ne3A_138 = arith.cmpi ne, %get3A_108, %ne3A_137 : vector<16xi32>
    %convert_element_type3A_139 = arith.extui %ne3A_138 : vector<16xi1> to vector<16xi32>
    %swap3A_140 = arith.constant 32 : index
    %swap3A_141 = tpu.vector_load %arg13[%swap3A_140] {strides = array<i32>} : memref<256xi32, #tpu.memory_space<vmem>>, vector<16xi32>,
    tpu.vector_store %arg13[%swap3A_140], %convert_element_type3A_139 {strides = array<i32>} : memref<256xi32, #tpu.memory_space<vmem>>, vector<16xi32>,
    %get3A_142 = arith.constant 32 : index
    %get3A_143 = tpu.vector_load %arg10[%get3A_142] {strides = array<i32>} : memref<256xf32, #tpu.memory_space<vmem>>, vector<16xf32>,
    %jit3A_144 = arith.constant 0.000000e+00 : f32
    %broadcast_in_dim3A_145 = vector.broadcast %jit3A_144 : f32 to vector<16xf32>
    %select_n3A_146 = arith.select %ne3A_138, %get3A_143, %broadcast_in_dim3A_145 : vector<16xi1>, vector<16xf32>
    %swap3A_147 = arith.constant 32 : index
    %swap3A_148 = tpu.vector_load %arg15[%swap3A_147] {strides = array<i32>} : memref<256xf32, #tpu.memory_space<vmem>>, vector<16xf32>,
    tpu.vector_store %arg15[%swap3A_147], %select_n3A_146 {strides = array<i32>} : memref<256xf32, #tpu.memory_space<vmem>>, vector<16xf32>,
    %get3A_149 = arith.constant 48 : index
    %get3A_150 = tpu.vector_load %arg9[%get3A_149] {strides = array<i32>} : memref<256xi32, #tpu.memory_space<vmem>>, vector<16xi32>,
    %get3A_151 = arith.constant 48 : index
    %get3A_152 = tpu.vector_load %arg11[%get3A_151] {strides = array<i32>} : memref<256xi32, #tpu.memory_space<vmem>>, vector<16xi32>,
    %ge3A_153 = arith.constant 256 : i32
    %ge3A_154 = vector.broadcast %ge3A_153 : i32 to vector<16xi32>
    %ge3A_155 = arith.cmpi sge, %get3A_152, %ge3A_154 : vector<16xi32>
    %ge3A_156 = arith.constant 4 : i32
    %ge3A_157 = vector.broadcast %ge3A_156 : i32 to vector<16xi32>
    %ge3A_158 = arith.cmpi sge, %get3A_150, %ge3A_157 : vector<16xi32>
    %and3A_159 = arith.andi %ge3A_155, %ge3A_158 : vector<16xi1>
    %and3A_160 = arith.constant 255 : i32
    %and3A_161 = vector.broadcast %and3A_160 : i32 to vector<16xi32>
    %and3A_162 = arith.andi %get3A_152, %and3A_161 : vector<16xi32>
    %sub3A_163 = arith.constant 1 : i32
    %sub3A_164 = vector.broadcast %sub3A_163 : i32 to vector<16xi32>
    %sub3A_165 = arith.subi %and3A_162, %sub3A_164 : vector<16xi32>
    %jit3A_166 = arith.constant -100 : i32
    %broadcast_in_dim3A_167 = vector.broadcast %jit3A_166 : i32 to vector<16xi32>
    %select_n3A_168 = arith.select %and3A_159, %get3A_150, %broadcast_in_dim3A_167 : vector<16xi1>, vector<16xi32>
    %swap3A_169 = arith.constant 48 : index
    %swap3A_170 = tpu.vector_load %arg14[%swap3A_169] {strides = array<i32>} : memref<256xi32, #tpu.memory_space<vmem>>, vector<16xi32>,
    tpu.vector_store %arg14[%swap3A_169], %select_n3A_168 {strides = array<i32>} : memref<256xi32, #tpu.memory_space<vmem>>, vector<16xi32>,
    %ge3A_171 = arith.constant 0 : i32
    %ge3A_172 = vector.broadcast %ge3A_171 : i32 to vector<16xi32>
    %ge3A_173 = arith.cmpi sge, %sub3A_165, %ge3A_172 : vector<16xi32>
    %and3A_174 = arith.andi %and3A_159, %ge3A_173 : vector<16xi1>
    %select_n3A_175 = arith.select %and3A_174, %sub3A_165, %get3A_150 : vector<16xi1>, vector<16xi32>
    %swap3A_176 = arith.constant 48 : index
    %swap3A_177 = tpu.vector_load %arg12[%swap3A_176] {strides = array<i32>} : memref<256xi32, #tpu.memory_space<vmem>>, vector<16xi32>,
    tpu.vector_store %arg12[%swap3A_176], %select_n3A_175 {strides = array<i32>} : memref<256xi32, #tpu.memory_space<vmem>>, vector<16xi32>,
    %ne3A_178 = arith.constant 0 : i32
    %ne3A_179 = vector.broadcast %ne3A_178 : i32 to vector<16xi32>
    %ne3A_180 = arith.cmpi ne, %get3A_150, %ne3A_179 : vector<16xi32>
    %convert_element_type3A_181 = arith.extui %ne3A_180 : vector<16xi1> to vector<16xi32>
    %swap3A_182 = arith.constant 48 : index
    %swap3A_183 = tpu.vector_load %arg13[%swap3A_182] {strides = array<i32>} : memref<256xi32, #tpu.memory_space<vmem>>, vector<16xi32>,
    tpu.vector_store %arg13[%swap3A_182], %convert_element_type3A_181 {strides = array<i32>} : memref<256xi32, #tpu.memory_space<vmem>>, vector<16xi32>,
    %get3A_184 = arith.constant 48 : index
    %get3A_185 = tpu.vector_load %arg10[%get3A_184] {strides = array<i32>} : memref<256xf32, #tpu.memory_space<vmem>>, vector<16xf32>,
    %jit3A_186 = arith.constant 0.000000e+00 : f32
    %broadcast_in_dim3A_187 = vector.broadcast %jit3A_186 : f32 to vector<16xf32>
    %select_n3A_188 = arith.select %ne3A_180, %get3A_185, %broadcast_in_dim3A_187 : vector<16xi1>, vector<16xf32>
    %swap3A_189 = arith.constant 48 : index
    %swap3A_190 = tpu.vector_load %arg15[%swap3A_189] {strides = array<i32>} : memref<256xf32, #tpu.memory_space<vmem>>, vector<16xf32>,
    tpu.vector_store %arg15[%swap3A_189], %select_n3A_188 {strides = array<i32>} : memref<256xf32, #tpu.memory_space<vmem>>, vector<16xf32>,
    %get3A_191 = arith.constant 64 : index
    %get3A_192 = tpu.vector_load %arg9[%get3A_191] {strides = array<i32>} : memref<256xi32, #tpu.memory_space<vmem>>, vector<16xi32>,
    %get3A_193 = arith.constant 64 : index
    %get3A_194 = tpu.vector_load %arg11[%get3A_193] {strides = array<i32>} : memref<256xi32, #tpu.memory_space<vmem>>, vector<16xi32>,
    %ge3A_195 = arith.constant 256 : i32
    %ge3A_196 = vector.broadcast %ge3A_195 : i32 to vector<16xi32>
    %ge3A_197 = arith.cmpi sge, %get3A_194, %ge3A_196 : vector<16xi32>
    %ge3A_198 = arith.constant 4 : i32
    %ge3A_199 = vector.broadcast %ge3A_198 : i32 to vector<16xi32>
    %ge3A_200 = arith.cmpi sge, %get3A_192, %ge3A_199 : vector<16xi32>
    %and3A_201 = arith.andi %ge3A_197, %ge3A_200 : vector<16xi1>
    %and3A_202 = arith.constant 255 : i32
    %and3A_203 = vector.broadcast %and3A_202 : i32 to vector<16xi32>
    %and3A_204 = arith.andi %get3A_194, %and3A_203 : vector<16xi32>
    %sub3A_205 = arith.constant 1 : i32
    %sub3A_206 = vector.broadcast %sub3A_205 : i32 to vector<16xi32>
    %sub3A_207 = arith.subi %and3A_204, %sub3A_206 : vector<16xi32>
    %jit3A_208 = arith.constant -100 : i32
    %broadcast_in_dim3A_209 = vector.broadcast %jit3A_208 : i32 to vector<16xi32>
    %select_n3A_210 = arith.select %and3A_201, %get3A_192, %broadcast_in_dim3A_209 : vector<16xi1>, vector<16xi32>
    %swap3A_211 = arith.constant 64 : index
    %swap3A_212 = tpu.vector_load %arg14[%swap3A_211] {strides = array<i32>} : memref<256xi32, #tpu.memory_space<vmem>>, vector<16xi32>,
    tpu.vector_store %arg14[%swap3A_211], %select_n3A_210 {strides = array<i32>} : memref<256xi32, #tpu.memory_space<vmem>>, vector<16xi32>,
    %ge3A_213 = arith.constant 0 : i32
    %ge3A_214 = vector.broadcast %ge3A_213 : i32 to vector<16xi32>
    %ge3A_215 = arith.cmpi sge, %sub3A_207, %ge3A_214 : vector<16xi32>
    %and3A_216 = arith.andi %and3A_201, %ge3A_215 : vector<16xi1>
    %select_n3A_217 = arith.select %and3A_216, %sub3A_207, %get3A_192 : vector<16xi1>, vector<16xi32>
    %swap3A_218 = arith.constant 64 : index
    %swap3A_219 = tpu.vector_load %arg12[%swap3A_218] {strides = array<i32>} : memref<256xi32, #tpu.memory_space<vmem>>, vector<16xi32>,
    tpu.vector_store %arg12[%swap3A_218], %select_n3A_217 {strides = array<i32>} : memref<256xi32, #tpu.memory_space<vmem>>, vector<16xi32>,
    %ne3A_220 = arith.constant 0 : i32
    %ne3A_221 = vector.broadcast %ne3A_220 : i32 to vector<16xi32>
    %ne3A_222 = arith.cmpi ne, %get3A_192, %ne3A_221 : vector<16xi32>
    %convert_element_type3A_223 = arith.extui %ne3A_222 : vector<16xi1> to vector<16xi32>
    %swap3A_224 = arith.constant 64 : index
    %swap3A_225 = tpu.vector_load %arg13[%swap3A_224] {strides = array<i32>} : memref<256xi32, #tpu.memory_space<vmem>>, vector<16xi32>,
    tpu.vector_store %arg13[%swap3A_224], %convert_element_type3A_223 {strides = array<i32>} : memref<256xi32, #tpu.memory_space<vmem>>, vector<16xi32>,
    %get3A_226 = arith.constant 64 : index
    %get3A_227 = tpu.vector_load %arg10[%get3A_226] {strides = array<i32>} : memref<256xf32, #tpu.memory_space<vmem>>, vector<16xf32>,
    %jit3A_228 = arith.constant 0.000000e+00 : f32
    %broadcast_in_dim3A_229 = vector.broadcast %jit3A_228 : f32 to vector<16xf32>
    %select_n3A_230 = arith.select %ne3A_222, %get3A_227, %broadcast_in_dim3A_229 : vector<16xi1>, vector<16xf32>
    %swap3A_231 = arith.constant 64 : index
    %swap3A_232 = tpu.vector_load %arg15[%swap3A_231] {strides = array<i32>} : memref<256xf32, #tpu.memory_space<vmem>>, vector<16xf32>,
    tpu.vector_store %arg15[%swap3A_231], %select_n3A_230 {strides = array<i32>} : memref<256xf32, #tpu.memory_space<vmem>>, vector<16xf32>,
    %get3A_233 = arith.constant 80 : index
    %get3A_234 = tpu.vector_load %arg9[%get3A_233] {strides = array<i32>} : memref<256xi32, #tpu.memory_space<vmem>>, vector<16xi32>,
    %get3A_235 = arith.constant 80 : index
    %get3A_236 = tpu.vector_load %arg11[%get3A_235] {strides = array<i32>} : memref<256xi32, #tpu.memory_space<vmem>>, vector<16xi32>,
    %ge3A_237 = arith.constant 256 : i32
    %ge3A_238 = vector.broadcast %ge3A_237 : i32 to vector<16xi32>
    %ge3A_239 = arith.cmpi sge, %get3A_236, %ge3A_238 : vector<16xi32>
    %ge3A_240 = arith.constant 4 : i32
    %ge3A_241 = vector.broadcast %ge3A_240 : i32 to vector<16xi32>
    %ge3A_242 = arith.cmpi sge, %get3A_234, %ge3A_241 : vector<16xi32>
    %and3A_243 = arith.andi %ge3A_239, %ge3A_242 : vector<16xi1>
    %and3A_244 = arith.constant 255 : i32
    %and3A_245 = vector.broadcast %and3A_244 : i32 to vector<16xi32>
    %and3A_246 = arith.andi %get3A_236, %and3A_245 : vector<16xi32>
    %sub3A_247 = arith.constant 1 : i32
    %sub3A_248 = vector.broadcast %sub3A_247 : i32 to vector<16xi32>
    %sub3A_249 = arith.subi %and3A_246, %sub3A_248 : vector<16xi32>
    %jit3A_250 = arith.constant -100 : i32
    %broadcast_in_dim3A_251 = vector.broadcast %jit3A_250 : i32 to vector<16xi32>
    %select_n3A_252 = arith.select %and3A_243, %get3A_234, %broadcast_in_dim3A_251 : vector<16xi1>, vector<16xi32>
    %swap3A_253 = arith.constant 80 : index
    %swap3A_254 = tpu.vector_load %arg14[%swap3A_253] {strides = array<i32>} : memref<256xi32, #tpu.memory_space<vmem>>, vector<16xi32>,
    tpu.vector_store %arg14[%swap3A_253], %select_n3A_252 {strides = array<i32>} : memref<256xi32, #tpu.memory_space<vmem>>, vector<16xi32>,
    %ge3A_255 = arith.constant 0 : i32
    %ge3A_256 = vector.broadcast %ge3A_255 : i32 to vector<16xi32>
    %ge3A_257 = arith.cmpi sge, %sub3A_249, %ge3A_256 : vector<16xi32>
    %and3A_258 = arith.andi %and3A_243, %ge3A_257 : vector<16xi1>
    %select_n3A_259 = arith.select %and3A_258, %sub3A_249, %get3A_234 : vector<16xi1>, vector<16xi32>
    %swap3A_260 = arith.constant 80 : index
    %swap3A_261 = tpu.vector_load %arg12[%swap3A_260] {strides = array<i32>} : memref<256xi32, #tpu.memory_space<vmem>>, vector<16xi32>,
    tpu.vector_store %arg12[%swap3A_260], %select_n3A_259 {strides = array<i32>} : memref<256xi32, #tpu.memory_space<vmem>>, vector<16xi32>,
    %ne3A_262 = arith.constant 0 : i32
    %ne3A_263 = vector.broadcast %ne3A_262 : i32 to vector<16xi32>
    %ne3A_264 = arith.cmpi ne, %get3A_234, %ne3A_263 : vector<16xi32>
    %convert_element_type3A_265 = arith.extui %ne3A_264 : vector<16xi1> to vector<16xi32>
    %swap3A_266 = arith.constant 80 : index
    %swap3A_267 = tpu.vector_load %arg13[%swap3A_266] {strides = array<i32>} : memref<256xi32, #tpu.memory_space<vmem>>, vector<16xi32>,
    tpu.vector_store %arg13[%swap3A_266], %convert_element_type3A_265 {strides = array<i32>} : memref<256xi32, #tpu.memory_space<vmem>>, vector<16xi32>,
    %get3A_268 = arith.constant 80 : index
    %get3A_269 = tpu.vector_load %arg10[%get3A_268] {strides = array<i32>} : memref<256xf32, #tpu.memory_space<vmem>>, vector<16xf32>,
    %jit3A_270 = arith.constant 0.000000e+00 : f32
    %broadcast_in_dim3A_271 = vector.broadcast %jit3A_270 : f32 to vector<16xf32>
    %select_n3A_272 = arith.select %ne3A_264, %get3A_269, %broadcast_in_dim3A_271 : vector<16xi1>, vector<16xf32>
    %swap3A_273 = arith.constant 80 : index
    %swap3A_274 = tpu.vector_load %arg15[%swap3A_273] {strides = array<i32>} : memref<256xf32, #tpu.memory_space<vmem>>, vector<16xf32>,
    tpu.vector_store %arg15[%swap3A_273], %select_n3A_272 {strides = array<i32>} : memref<256xf32, #tpu.memory_space<vmem>>, vector<16xf32>,
    %get3A_275 = arith.constant 96 : index
    %get3A_276 = tpu.vector_load %arg9[%get3A_275] {strides = array<i32>} : memref<256xi32, #tpu.memory_space<vmem>>, vector<16xi32>,
    %get3A_277 = arith.constant 96 : index
    %get3A_278 = tpu.vector_load %arg11[%get3A_277] {strides = array<i32>} : memref<256xi32, #tpu.memory_space<vmem>>, vector<16xi32>,
    %ge3A_279 = arith.constant 256 : i32
    %ge3A_280 = vector.broadcast %ge3A_279 : i32 to vector<16xi32>
    %ge3A_281 = arith.cmpi sge, %get3A_278, %ge3A_280 : vector<16xi32>
    %ge3A_282 = arith.constant 4 : i32
    %ge3A_283 = vector.broadcast %ge3A_282 : i32 to vector<16xi32>
    %ge3A_284 = arith.cmpi sge, %get3A_276, %ge3A_283 : vector<16xi32>
    %and3A_285 = arith.andi %ge3A_281, %ge3A_284 : vector<16xi1>
    %and3A_286 = arith.constant 255 : i32
    %and3A_287 = vector.broadcast %and3A_286 : i32 to vector<16xi32>
    %and3A_288 = arith.andi %get3A_278, %and3A_287 : vector<16xi32>
    %sub3A_289 = arith.constant 1 : i32
    %sub3A_290 = vector.broadcast %sub3A_289 : i32 to vector<16xi32>
    %sub3A_291 = arith.subi %and3A_288, %sub3A_290 : vector<16xi32>
    %jit3A_292 = arith.constant -100 : i32
    %broadcast_in_dim3A_293 = vector.broadcast %jit3A_292 : i32 to vector<16xi32>
    %select_n3A_294 = arith.select %and3A_285, %get3A_276, %broadcast_in_dim3A_293 : vector<16xi1>, vector<16xi32>
    %swap3A_295 = arith.constant 96 : index
    %swap3A_296 = tpu.vector_load %arg14[%swap3A_295] {strides = array<i32>} : memref<256xi32, #tpu.memory_space<vmem>>, vector<16xi32>,
    tpu.vector_store %arg14[%swap3A_295], %select_n3A_294 {strides = array<i32>} : memref<256xi32, #tpu.memory_space<vmem>>, vector<16xi32>,
    %ge3A_297 = arith.constant 0 : i32
    %ge3A_298 = vector.broadcast %ge3A_297 : i32 to vector<16xi32>
    %ge3A_299 = arith.cmpi sge, %sub3A_291, %ge3A_298 : vector<16xi32>
    %and3A_300 = arith.andi %and3A_285, %ge3A_299 : vector<16xi1>
    %select_n3A_301 = arith.select %and3A_300, %sub3A_291, %get3A_276 : vector<16xi1>, vector<16xi32>
    %swap3A_302 = arith.constant 96 : index
    %swap3A_303 = tpu.vector_load %arg12[%swap3A_302] {strides = array<i32>} : memref<256xi32, #tpu.memory_space<vmem>>, vector<16xi32>,
    tpu.vector_store %arg12[%swap3A_302], %select_n3A_301 {strides = array<i32>} : memref<256xi32, #tpu.memory_space<vmem>>, vector<16xi32>,
    %ne3A_304 = arith.constant 0 : i32
    %ne3A_305 = vector.broadcast %ne3A_304 : i32 to vector<16xi32>
    %ne3A_306 = arith.cmpi ne, %get3A_276, %ne3A_305 : vector<16xi32>
    %convert_element_type3A_307 = arith.extui %ne3A_306 : vector<16xi1> to vector<16xi32>
    %swap3A_308 = arith.constant 96 : index
    %swap3A_309 = tpu.vector_load %arg13[%swap3A_308] {strides = array<i32>} : memref<256xi32, #tpu.memory_space<vmem>>, vector<16xi32>,
    tpu.vector_store %arg13[%swap3A_308], %convert_element_type3A_307 {strides = array<i32>} : memref<256xi32, #tpu.memory_space<vmem>>, vector<16xi32>,
    %get3A_310 = arith.constant 96 : index
    %get3A_311 = tpu.vector_load %arg10[%get3A_310] {strides = array<i32>} : memref<256xf32, #tpu.memory_space<vmem>>, vector<16xf32>,
    %jit3A_312 = arith.constant 0.000000e+00 : f32
    %broadcast_in_dim3A_313 = vector.broadcast %jit3A_312 : f32 to vector<16xf32>
    %select_n3A_314 = arith.select %ne3A_306, %get3A_311, %broadcast_in_dim3A_313 : vector<16xi1>, vector<16xf32>
    %swap3A_315 = arith.constant 96 : index
    %swap3A_316 = tpu.vector_load %arg15[%swap3A_315] {strides = array<i32>} : memref<256xf32, #tpu.memory_space<vmem>>, vector<16xf32>,
    tpu.vector_store %arg15[%swap3A_315], %select_n3A_314 {strides = array<i32>} : memref<256xf32, #tpu.memory_space<vmem>>, vector<16xf32>,
    %get3A_317 = arith.constant 112 : index
    %get3A_318 = tpu.vector_load %arg9[%get3A_317] {strides = array<i32>} : memref<256xi32, #tpu.memory_space<vmem>>, vector<16xi32>,
    %get3A_319 = arith.constant 112 : index
    %get3A_320 = tpu.vector_load %arg11[%get3A_319] {strides = array<i32>} : memref<256xi32, #tpu.memory_space<vmem>>, vector<16xi32>,
    %ge3A_321 = arith.constant 256 : i32
    %ge3A_322 = vector.broadcast %ge3A_321 : i32 to vector<16xi32>
    %ge3A_323 = arith.cmpi sge, %get3A_320, %ge3A_322 : vector<16xi32>
    %ge3A_324 = arith.constant 4 : i32
    %ge3A_325 = vector.broadcast %ge3A_324 : i32 to vector<16xi32>
    %ge3A_326 = arith.cmpi sge, %get3A_318, %ge3A_325 : vector<16xi32>
    %and3A_327 = arith.andi %ge3A_323, %ge3A_326 : vector<16xi1>
    %and3A_328 = arith.constant 255 : i32
    %and3A_329 = vector.broadcast %and3A_328 : i32 to vector<16xi32>
    %and3A_330 = arith.andi %get3A_320, %and3A_329 : vector<16xi32>
    %sub3A_331 = arith.constant 1 : i32
    %sub3A_332 = vector.broadcast %sub3A_331 : i32 to vector<16xi32>
    %sub3A_333 = arith.subi %and3A_330, %sub3A_332 : vector<16xi32>
    %jit3A_334 = arith.constant -100 : i32
    %broadcast_in_dim3A_335 = vector.broadcast %jit3A_334 : i32 to vector<16xi32>
    %select_n3A_336 = arith.select %and3A_327, %get3A_318, %broadcast_in_dim3A_335 : vector<16xi1>, vector<16xi32>
    %swap3A_337 = arith.constant 112 : index
    %swap3A_338 = tpu.vector_load %arg14[%swap3A_337] {strides = array<i32>} : memref<256xi32, #tpu.memory_space<vmem>>, vector<16xi32>,
    tpu.vector_store %arg14[%swap3A_337], %select_n3A_336 {strides = array<i32>} : memref<256xi32, #tpu.memory_space<vmem>>, vector<16xi32>,
    %ge3A_339 = arith.constant 0 : i32
    %ge3A_340 = vector.broadcast %ge3A_339 : i32 to vector<16xi32>
    %ge3A_341 = arith.cmpi sge, %sub3A_333, %ge3A_340 : vector<16xi32>
    %and3A_342 = arith.andi %and3A_327, %ge3A_341 : vector<16xi1>
    %select_n3A_343 = arith.select %and3A_342, %sub3A_333, %get3A_318 : vector<16xi1>, vector<16xi32>
    %swap3A_344 = arith.constant 112 : index
    %swap3A_345 = tpu.vector_load %arg12[%swap3A_344] {strides = array<i32>} : memref<256xi32, #tpu.memory_space<vmem>>, vector<16xi32>,
    tpu.vector_store %arg12[%swap3A_344], %select_n3A_343 {strides = array<i32>} : memref<256xi32, #tpu.memory_space<vmem>>, vector<16xi32>,
    %ne3A_346 = arith.constant 0 : i32
    %ne3A_347 = vector.broadcast %ne3A_346 : i32 to vector<16xi32>
    %ne3A_348 = arith.cmpi ne, %get3A_318, %ne3A_347 : vector<16xi32>
    %convert_element_type3A_349 = arith.extui %ne3A_348 : vector<16xi1> to vector<16xi32>
    %swap3A_350 = arith.constant 112 : index
    %swap3A_351 = tpu.vector_load %arg13[%swap3A_350] {strides = array<i32>} : memref<256xi32, #tpu.memory_space<vmem>>, vector<16xi32>,
    tpu.vector_store %arg13[%swap3A_350], %convert_element_type3A_349 {strides = array<i32>} : memref<256xi32, #tpu.memory_space<vmem>>, vector<16xi32>,
    %get3A_352 = arith.constant 112 : index
    %get3A_353 = tpu.vector_load %arg10[%get3A_352] {strides = array<i32>} : memref<256xf32, #tpu.memory_space<vmem>>, vector<16xf32>,
    %jit3A_354 = arith.constant 0.000000e+00 : f32
    %broadcast_in_dim3A_355 = vector.broadcast %jit3A_354 : f32 to vector<16xf32>
    %select_n3A_356 = arith.select %ne3A_348, %get3A_353, %broadcast_in_dim3A_355 : vector<16xi1>, vector<16xf32>
    %swap3A_357 = arith.constant 112 : index
    %swap3A_358 = tpu.vector_load %arg15[%swap3A_357] {strides = array<i32>} : memref<256xf32, #tpu.memory_space<vmem>>, vector<16xf32>,
    tpu.vector_store %arg15[%swap3A_357], %select_n3A_356 {strides = array<i32>} : memref<256xf32, #tpu.memory_space<vmem>>, vector<16xf32>,
    %get3A_359 = arith.constant 128 : index
    %get3A_360 = tpu.vector_load %arg9[%get3A_359] {strides = array<i32>} : memref<256xi32, #tpu.memory_space<vmem>>, vector<16xi32>,
    %get3A_361 = arith.constant 128 : index
    %get3A_362 = tpu.vector_load %arg11[%get3A_361] {strides = array<i32>} : memref<256xi32, #tpu.memory_space<vmem>>, vector<16xi32>,
    %ge3A_363 = arith.constant 256 : i32
    %ge3A_364 = vector.broadcast %ge3A_363 : i32 to vector<16xi32>
    %ge3A_365 = arith.cmpi sge, %get3A_362, %ge3A_364 : vector<16xi32>
    %ge3A_366 = arith.constant 4 : i32
    %ge3A_367 = vector.broadcast %ge3A_366 : i32 to vector<16xi32>
    %ge3A_368 = arith.cmpi sge, %get3A_360, %ge3A_367 : vector<16xi32>
    %and3A_369 = arith.andi %ge3A_365, %ge3A_368 : vector<16xi1>
    %and3A_370 = arith.constant 255 : i32
    %and3A_371 = vector.broadcast %and3A_370 : i32 to vector<16xi32>
    %and3A_372 = arith.andi %get3A_362, %and3A_371 : vector<16xi32>
    %sub3A_373 = arith.constant 1 : i32
    %sub3A_374 = vector.broadcast %sub3A_373 : i32 to vector<16xi32>
    %sub3A_375 = arith.subi %and3A_372, %sub3A_374 : vector<16xi32>
    %jit3A_376 = arith.constant -100 : i32
    %broadcast_in_dim3A_377 = vector.broadcast %jit3A_376 : i32 to vector<16xi32>
    %select_n3A_378 = arith.select %and3A_369, %get3A_360, %broadcast_in_dim3A_377 : vector<16xi1>, vector<16xi32>
    %swap3A_379 = arith.constant 128 : index
    %swap3A_380 = tpu.vector_load %arg14[%swap3A_379] {strides = array<i32>} : memref<256xi32, #tpu.memory_space<vmem>>, vector<16xi32>,
    tpu.vector_store %arg14[%swap3A_379], %select_n3A_378 {strides = array<i32>} : memref<256xi32, #tpu.memory_space<vmem>>, vector<16xi32>,
    %ge3A_381 = arith.constant 0 : i32
    %ge3A_382 = vector.broadcast %ge3A_381 : i32 to vector<16xi32>
    %ge3A_383 = arith.cmpi sge, %sub3A_375, %ge3A_382 : vector<16xi32>
    %and3A_384 = arith.andi %and3A_369, %ge3A_383 : vector<16xi1>
    %select_n3A_385 = arith.select %and3A_384, %sub3A_375, %get3A_360 : vector<16xi1>, vector<16xi32>
    %swap3A_386 = arith.constant 128 : index
    %swap3A_387 = tpu.vector_load %arg12[%swap3A_386] {strides = array<i32>} : memref<256xi32, #tpu.memory_space<vmem>>, vector<16xi32>,
    tpu.vector_store %arg12[%swap3A_386], %select_n3A_385 {strides = array<i32>} : memref<256xi32, #tpu.memory_space<vmem>>, vector<16xi32>,
    %ne3A_388 = arith.constant 0 : i32
    %ne3A_389 = vector.broadcast %ne3A_388 : i32 to vector<16xi32>
    %ne3A_390 = arith.cmpi ne, %get3A_360, %ne3A_389 : vector<16xi32>
    %convert_element_type3A_391 = arith.extui %ne3A_390 : vector<16xi1> to vector<16xi32>
    %swap3A_392 = arith.constant 128 : index
    %swap3A_393 = tpu.vector_load %arg13[%swap3A_392] {strides = array<i32>} : memref<256xi32, #tpu.memory_space<vmem>>, vector<16xi32>,
    tpu.vector_store %arg13[%swap3A_392], %convert_element_type3A_391 {strides = array<i32>} : memref<256xi32, #tpu.memory_space<vmem>>, vector<16xi32>,
    %get3A_394 = arith.constant 128 : index
    %get3A_395 = tpu.vector_load %arg10[%get3A_394] {strides = array<i32>} : memref<256xf32, #tpu.memory_space<vmem>>, vector<16xf32>,
    %jit3A_396 = arith.constant 0.000000e+00 : f32
    %broadcast_in_dim3A_397 = vector.broadcast %jit3A_396 : f32 to vector<16xf32>
    %select_n3A_398 = arith.select %ne3A_390, %get3A_395, %broadcast_in_dim3A_397 : vector<16xi1>, vector<16xf32>
    %swap3A_399 = arith.constant 128 : index
    %swap3A_400 = tpu.vector_load %arg15[%swap3A_399] {strides = array<i32>} : memref<256xf32, #tpu.memory_space<vmem>>, vector<16xf32>,
    tpu.vector_store %arg15[%swap3A_399], %select_n3A_398 {strides = array<i32>} : memref<256xf32, #tpu.memory_space<vmem>>, vector<16xf32>,
    %get3A_401 = arith.constant 144 : index
    %get3A_402 = tpu.vector_load %arg9[%get3A_401] {strides = array<i32>} : memref<256xi32, #tpu.memory_space<vmem>>, vector<16xi32>,
    %get3A_403 = arith.constant 144 : index
    %get3A_404 = tpu.vector_load %arg11[%get3A_403] {strides = array<i32>} : memref<256xi32, #tpu.memory_space<vmem>>, vector<16xi32>,
    %ge3A_405 = arith.constant 256 : i32
    %ge3A_406 = vector.broadcast %ge3A_405 : i32 to vector<16xi32>
    %ge3A_407 = arith.cmpi sge, %get3A_404, %ge3A_406 : vector<16xi32>
    %ge3A_408 = arith.constant 4 : i32
    %ge3A_409 = vector.broadcast %ge3A_408 : i32 to vector<16xi32>
    %ge3A_410 = arith.cmpi sge, %get3A_402, %ge3A_409 : vector<16xi32>
    %and3A_411 = arith.andi %ge3A_407, %ge3A_410 : vector<16xi1>
    %and3A_412 = arith.constant 255 : i32
    %and3A_413 = vector.broadcast %and3A_412 : i32 to vector<16xi32>
    %and3A_414 = arith.andi %get3A_404, %and3A_413 : vector<16xi32>
    %sub3A_415 = arith.constant 1 : i32
    %sub3A_416 = vector.broadcast %sub3A_415 : i32 to vector<16xi32>
    %sub3A_417 = arith.subi %and3A_414, %sub3A_416 : vector<16xi32>
    %jit3A_418 = arith.constant -100 : i32
    %broadcast_in_dim3A_419 = vector.broadcast %jit3A_418 : i32 to vector<16xi32>
    %select_n3A_420 = arith.select %and3A_411, %get3A_402, %broadcast_in_dim3A_419 : vector<16xi1>, vector<16xi32>
    %swap3A_421 = arith.constant 144 : index
    %swap3A_422 = tpu.vector_load %arg14[%swap3A_421] {strides = array<i32>} : memref<256xi32, #tpu.memory_space<vmem>>, vector<16xi32>,
    tpu.vector_store %arg14[%swap3A_421], %select_n3A_420 {strides = array<i32>} : memref<256xi32, #tpu.memory_space<vmem>>, vector<16xi32>,
    %ge3A_423 = arith.constant 0 : i32
    %ge3A_424 = vector.broadcast %ge3A_423 : i32 to vector<16xi32>
    %ge3A_425 = arith.cmpi sge, %sub3A_417, %ge3A_424 : vector<16xi32>
    %and3A_426 = arith.andi %and3A_411, %ge3A_425 : vector<16xi1>
    %select_n3A_427 = arith.select %and3A_426, %sub3A_417, %get3A_402 : vector<16xi1>, vector<16xi32>
    %swap3A_428 = arith.constant 144 : index
    %swap3A_429 = tpu.vector_load %arg12[%swap3A_428] {strides = array<i32>} : memref<256xi32, #tpu.memory_space<vmem>>, vector<16xi32>,
    tpu.vector_store %arg12[%swap3A_428], %select_n3A_427 {strides = array<i32>} : memref<256xi32, #tpu.memory_space<vmem>>, vector<16xi32>,
    %ne3A_430 = arith.constant 0 : i32
    %ne3A_431 = vector.broadcast %ne3A_430 : i32 to vector<16xi32>
    %ne3A_432 = arith.cmpi ne, %get3A_402, %ne3A_431 : vector<16xi32>
    %convert_element_type3A_433 = arith.extui %ne3A_432 : vector<16xi1> to vector<16xi32>
    %swap3A_434 = arith.constant 144 : index
    %swap3A_435 = tpu.vector_load %arg13[%swap3A_434] {strides = array<i32>} : memref<256xi32, #tpu.memory_space<vmem>>, vector<16xi32>,
    tpu.vector_store %arg13[%swap3A_434], %convert_element_type3A_433 {strides = array<i32>} : memref<256xi32, #tpu.memory_space<vmem>>, vector<16xi32>,
    %get3A_436 = arith.constant 144 : index
    %get3A_437 = tpu.vector_load %arg10[%get3A_436] {strides = array<i32>} : memref<256xf32, #tpu.memory_space<vmem>>, vector<16xf32>,
    %jit3A_438 = arith.constant 0.000000e+00 : f32
    %broadcast_in_dim3A_439 = vector.broadcast %jit3A_438 : f32 to vector<16xf32>
    %select_n3A_440 = arith.select %ne3A_432, %get3A_437, %broadcast_in_dim3A_439 : vector<16xi1>, vector<16xf32>
    %swap3A_441 = arith.constant 144 : index
    %swap3A_442 = tpu.vector_load %arg15[%swap3A_441] {strides = array<i32>} : memref<256xf32, #tpu.memory_space<vmem>>, vector<16xf32>,
    tpu.vector_store %arg15[%swap3A_441], %select_n3A_440 {strides = array<i32>} : memref<256xf32, #tpu.memory_space<vmem>>, vector<16xf32>,
    %get3A_443 = arith.constant 160 : index
    %get3A_444 = tpu.vector_load %arg9[%get3A_443] {strides = array<i32>} : memref<256xi32, #tpu.memory_space<vmem>>, vector<16xi32>,
    %get3A_445 = arith.constant 160 : index
    %get3A_446 = tpu.vector_load %arg11[%get3A_445] {strides = array<i32>} : memref<256xi32, #tpu.memory_space<vmem>>, vector<16xi32>,
    %ge3A_447 = arith.constant 256 : i32
    %ge3A_448 = vector.broadcast %ge3A_447 : i32 to vector<16xi32>
    %ge3A_449 = arith.cmpi sge, %get3A_446, %ge3A_448 : vector<16xi32>
    %ge3A_450 = arith.constant 4 : i32
    %ge3A_451 = vector.broadcast %ge3A_450 : i32 to vector<16xi32>
    %ge3A_452 = arith.cmpi sge, %get3A_444, %ge3A_451 : vector<16xi32>
    %and3A_453 = arith.andi %ge3A_449, %ge3A_452 : vector<16xi1>
    %and3A_454 = arith.constant 255 : i32
    %and3A_455 = vector.broadcast %and3A_454 : i32 to vector<16xi32>
    %and3A_456 = arith.andi %get3A_446, %and3A_455 : vector<16xi32>
    %sub3A_457 = arith.constant 1 : i32
    %sub3A_458 = vector.broadcast %sub3A_457 : i32 to vector<16xi32>
    %sub3A_459 = arith.subi %and3A_456, %sub3A_458 : vector<16xi32>
    %jit3A_460 = arith.constant -100 : i32
    %broadcast_in_dim3A_461 = vector.broadcast %jit3A_460 : i32 to vector<16xi32>
    %select_n3A_462 = arith.select %and3A_453, %get3A_444, %broadcast_in_dim3A_461 : vector<16xi1>, vector<16xi32>
    %swap3A_463 = arith.constant 160 : index
    %swap3A_464 = tpu.vector_load %arg14[%swap3A_463] {strides = array<i32>} : memref<256xi32, #tpu.memory_space<vmem>>, vector<16xi32>,
    tpu.vector_store %arg14[%swap3A_463], %select_n3A_462 {strides = array<i32>} : memref<256xi32, #tpu.memory_space<vmem>>, vector<16xi32>,
    %ge3A_465 = arith.constant 0 : i32
    %ge3A_466 = vector.broadcast %ge3A_465 : i32 to vector<16xi32>
    %ge3A_467 = arith.cmpi sge, %sub3A_459, %ge3A_466 : vector<16xi32>
    %and3A_468 = arith.andi %and3A_453, %ge3A_467 : vector<16xi1>
    %select_n3A_469 = arith.select %and3A_468, %sub3A_459, %get3A_444 : vector<16xi1>, vector<16xi32>
    %swap3A_470 = arith.constant 160 : index
    %swap3A_471 = tpu.vector_load %arg12[%swap3A_470] {strides = array<i32>} : memref<256xi32, #tpu.memory_space<vmem>>, vector<16xi32>,
    tpu.vector_store %arg12[%swap3A_470], %select_n3A_469 {strides = array<i32>} : memref<256xi32, #tpu.memory_space<vmem>>, vector<16xi32>,
    %ne3A_472 = arith.constant 0 : i32
    %ne3A_473 = vector.broadcast %ne3A_472 : i32 to vector<16xi32>
    %ne3A_474 = arith.cmpi ne, %get3A_444, %ne3A_473 : vector<16xi32>
    %convert_element_type3A_475 = arith.extui %ne3A_474 : vector<16xi1> to vector<16xi32>
    %swap3A_476 = arith.constant 160 : index
    %swap3A_477 = tpu.vector_load %arg13[%swap3A_476] {strides = array<i32>} : memref<256xi32, #tpu.memory_space<vmem>>, vector<16xi32>,
    tpu.vector_store %arg13[%swap3A_476], %convert_element_type3A_475 {strides = array<i32>} : memref<256xi32, #tpu.memory_space<vmem>>, vector<16xi32>,
    %get3A_478 = arith.constant 160 : index
    %get3A_479 = tpu.vector_load %arg10[%get3A_478] {strides = array<i32>} : memref<256xf32, #tpu.memory_space<vmem>>, vector<16xf32>,
    %jit3A_480 = arith.constant 0.000000e+00 : f32
    %broadcast_in_dim3A_481 = vector.broadcast %jit3A_480 : f32 to vector<16xf32>
    %select_n3A_482 = arith.select %ne3A_474, %get3A_479, %broadcast_in_dim3A_481 : vector<16xi1>, vector<16xf32>
    %swap3A_483 = arith.constant 160 : index
    %swap3A_484 = tpu.vector_load %arg15[%swap3A_483] {strides = array<i32>} : memref<256xf32, #tpu.memory_space<vmem>>, vector<16xf32>,
    tpu.vector_store %arg15[%swap3A_483], %select_n3A_482 {strides = array<i32>} : memref<256xf32, #tpu.memory_space<vmem>>, vector<16xf32>,
    %get3A_485 = arith.constant 176 : index
    %get3A_486 = tpu.vector_load %arg9[%get3A_485] {strides = array<i32>} : memref<256xi32, #tpu.memory_space<vmem>>, vector<16xi32>,
    %get3A_487 = arith.constant 176 : index
    %get3A_488 = tpu.vector_load %arg11[%get3A_487] {strides = array<i32>} : memref<256xi32, #tpu.memory_space<vmem>>, vector<16xi32>,
    %ge3A_489 = arith.constant 256 : i32
    %ge3A_490 = vector.broadcast %ge3A_489 : i32 to vector<16xi32>
    %ge3A_491 = arith.cmpi sge, %get3A_488, %ge3A_490 : vector<16xi32>
    %ge3A_492 = arith.constant 4 : i32
    %ge3A_493 = vector.broadcast %ge3A_492 : i32 to vector<16xi32>
    %ge3A_494 = arith.cmpi sge, %get3A_486, %ge3A_493 : vector<16xi32>
    %and3A_495 = arith.andi %ge3A_491, %ge3A_494 : vector<16xi1>
    %and3A_496 = arith.constant 255 : i32
    %and3A_497 = vector.broadcast %and3A_496 : i32 to vector<16xi32>
    %and3A_498 = arith.andi %get3A_488, %and3A_497 : vector<16xi32>
    %sub3A_499 = arith.constant 1 : i32
    %sub3A_500 = vector.broadcast %sub3A_499 : i32 to vector<16xi32>
    %sub3A_501 = arith.subi %and3A_498, %sub3A_500 : vector<16xi32>
    %jit3A_502 = arith.constant -100 : i32
    %broadcast_in_dim3A_503 = vector.broadcast %jit3A_502 : i32 to vector<16xi32>
    %select_n3A_504 = arith.select %and3A_495, %get3A_486, %broadcast_in_dim3A_503 : vector<16xi1>, vector<16xi32>
    %swap3A_505 = arith.constant 176 : index
    %swap3A_506 = tpu.vector_load %arg14[%swap3A_505] {strides = array<i32>} : memref<256xi32, #tpu.memory_space<vmem>>, vector<16xi32>,
    tpu.vector_store %arg14[%swap3A_505], %select_n3A_504 {strides = array<i32>} : memref<256xi32, #tpu.memory_space<vmem>>, vector<16xi32>,
    %ge3A_507 = arith.constant 0 : i32
    %ge3A_508 = vector.broadcast %ge3A_507 : i32 to vector<16xi32>
    %ge3A_509 = arith.cmpi sge, %sub3A_501, %ge3A_508 : vector<16xi32>
    %and3A_510 = arith.andi %and3A_495, %ge3A_509 : vector<16xi1>
    %select_n3A_511 = arith.select %and3A_510, %sub3A_501, %get3A_486 : vector<16xi1>, vector<16xi32>
    %swap3A_512 = arith.constant 176 : index
    %swap3A_513 = tpu.vector_load %arg12[%swap3A_512] {strides = array<i32>} : memref<256xi32, #tpu.memory_space<vmem>>, vector<16xi32>,
    tpu.vector_store %arg12[%swap3A_512], %select_n3A_511 {strides = array<i32>} : memref<256xi32, #tpu.memory_space<vmem>>, vector<16xi32>,
    %ne3A_514 = arith.constant 0 : i32
    %ne3A_515 = vector.broadcast %ne3A_514 : i32 to vector<16xi32>
    %ne3A_516 = arith.cmpi ne, %get3A_486, %ne3A_515 : vector<16xi32>
    %convert_element_type3A_517 = arith.extui %ne3A_516 : vector<16xi1> to vector<16xi32>
    %swap3A_518 = arith.constant 176 : index
    %swap3A_519 = tpu.vector_load %arg13[%swap3A_518] {strides = array<i32>} : memref<256xi32, #tpu.memory_space<vmem>>, vector<16xi32>,
    tpu.vector_store %arg13[%swap3A_518], %convert_element_type3A_517 {strides = array<i32>} : memref<256xi32, #tpu.memory_space<vmem>>, vector<16xi32>,
    %get3A_520 = arith.constant 176 : index
    %get3A_521 = tpu.vector_load %arg10[%get3A_520] {strides = array<i32>} : memref<256xf32, #tpu.memory_space<vmem>>, vector<16xf32>,
    %jit3A_522 = arith.constant 0.000000e+00 : f32
    %broadcast_in_dim3A_523 = vector.broadcast %jit3A_522 : f32 to vector<16xf32>
    %select_n3A_524 = arith.select %ne3A_516, %get3A_521, %broadcast_in_dim3A_523 : vector<16xi1>, vector<16xf32>
    %swap3A_525 = arith.constant 176 : index
    %swap3A_526 = tpu.vector_load %arg15[%swap3A_525] {strides = array<i32>} : memref<256xf32, #tpu.memory_space<vmem>>, vector<16xf32>,
    tpu.vector_store %arg15[%swap3A_525], %select_n3A_524 {strides = array<i32>} : memref<256xf32, #tpu.memory_space<vmem>>, vector<16xf32>,
    %get3A_527 = arith.constant 192 : index
    %get3A_528 = tpu.vector_load %arg9[%get3A_527] {strides = array<i32>} : memref<256xi32, #tpu.memory_space<vmem>>, vector<16xi32>,
    %get3A_529 = arith.constant 192 : index
    %get3A_530 = tpu.vector_load %arg11[%get3A_529] {strides = array<i32>} : memref<256xi32, #tpu.memory_space<vmem>>, vector<16xi32>,
    %ge3A_531 = arith.constant 256 : i32
    %ge3A_532 = vector.broadcast %ge3A_531 : i32 to vector<16xi32>
    %ge3A_533 = arith.cmpi sge, %get3A_530, %ge3A_532 : vector<16xi32>
    %ge3A_534 = arith.constant 4 : i32
    %ge3A_535 = vector.broadcast %ge3A_534 : i32 to vector<16xi32>
    %ge3A_536 = arith.cmpi sge, %get3A_528, %ge3A_535 : vector<16xi32>
    %and3A_537 = arith.andi %ge3A_533, %ge3A_536 : vector<16xi1>
    %and3A_538 = arith.constant 255 : i32
    %and3A_539 = vector.broadcast %and3A_538 : i32 to vector<16xi32>
    %and3A_540 = arith.andi %get3A_530, %and3A_539 : vector<16xi32>
    %sub3A_541 = arith.constant 1 : i32
    %sub3A_542 = vector.broadcast %sub3A_541 : i32 to vector<16xi32>
    %sub3A_543 = arith.subi %and3A_540, %sub3A_542 : vector<16xi32>
    %jit3A_544 = arith.constant -100 : i32
    %broadcast_in_dim3A_545 = vector.broadcast %jit3A_544 : i32 to vector<16xi32>
    %select_n3A_546 = arith.select %and3A_537, %get3A_528, %broadcast_in_dim3A_545 : vector<16xi1>, vector<16xi32>
    %swap3A_547 = arith.constant 192 : index
    %swap3A_548 = tpu.vector_load %arg14[%swap3A_547] {strides = array<i32>} : memref<256xi32, #tpu.memory_space<vmem>>, vector<16xi32>,
    tpu.vector_store %arg14[%swap3A_547], %select_n3A_546 {strides = array<i32>} : memref<256xi32, #tpu.memory_space<vmem>>, vector<16xi32>,
    %ge3A_549 = arith.constant 0 : i32
    %ge3A_550 = vector.broadcast %ge3A_549 : i32 to vector<16xi32>
    %ge3A_551 = arith.cmpi sge, %sub3A_543, %ge3A_550 : vector<16xi32>
    %and3A_552 = arith.andi %and3A_537, %ge3A_551 : vector<16xi1>
    %select_n3A_553 = arith.select %and3A_552, %sub3A_543, %get3A_528 : vector<16xi1>, vector<16xi32>
    %swap3A_554 = arith.constant 192 : index
    %swap3A_555 = tpu.vector_load %arg12[%swap3A_554] {strides = array<i32>} : memref<256xi32, #tpu.memory_space<vmem>>, vector<16xi32>,
    tpu.vector_store %arg12[%swap3A_554], %select_n3A_553 {strides = array<i32>} : memref<256xi32, #tpu.memory_space<vmem>>, vector<16xi32>,
    %ne3A_556 = arith.constant 0 : i32
    %ne3A_557 = vector.broadcast %ne3A_556 : i32 to vector<16xi32>
    %ne3A_558 = arith.cmpi ne, %get3A_528, %ne3A_557 : vector<16xi32>
    %convert_element_type3A_559 = arith.extui %ne3A_558 : vector<16xi1> to vector<16xi32>
    %swap3A_560 = arith.constant 192 : index
    %swap3A_561 = tpu.vector_load %arg13[%swap3A_560] {strides = array<i32>} : memref<256xi32, #tpu.memory_space<vmem>>, vector<16xi32>,
    tpu.vector_store %arg13[%swap3A_560], %convert_element_type3A_559 {strides = array<i32>} : memref<256xi32, #tpu.memory_space<vmem>>, vector<16xi32>,
    %get3A_562 = arith.constant 192 : index
    %get3A_563 = tpu.vector_load %arg10[%get3A_562] {strides = array<i32>} : memref<256xf32, #tpu.memory_space<vmem>>, vector<16xf32>,
    %jit3A_564 = arith.constant 0.000000e+00 : f32
    %broadcast_in_dim3A_565 = vector.broadcast %jit3A_564 : f32 to vector<16xf32>
    %select_n3A_566 = arith.select %ne3A_558, %get3A_563, %broadcast_in_dim3A_565 : vector<16xi1>, vector<16xf32>
    %swap3A_567 = arith.constant 192 : index
    %swap3A_568 = tpu.vector_load %arg15[%swap3A_567] {strides = array<i32>} : memref<256xf32, #tpu.memory_space<vmem>>, vector<16xf32>,
    tpu.vector_store %arg15[%swap3A_567], %select_n3A_566 {strides = array<i32>} : memref<256xf32, #tpu.memory_space<vmem>>, vector<16xf32>,
    %get3A_569 = arith.constant 208 : index
    %get3A_570 = tpu.vector_load %arg9[%get3A_569] {strides = array<i32>} : memref<256xi32, #tpu.memory_space<vmem>>, vector<16xi32>,
    %get3A_571 = arith.constant 208 : index
    %get3A_572 = tpu.vector_load %arg11[%get3A_571] {strides = array<i32>} : memref<256xi32, #tpu.memory_space<vmem>>, vector<16xi32>,
    %ge3A_573 = arith.constant 256 : i32
    %ge3A_574 = vector.broadcast %ge3A_573 : i32 to vector<16xi32>
    %ge3A_575 = arith.cmpi sge, %get3A_572, %ge3A_574 : vector<16xi32>
    %ge3A_576 = arith.constant 4 : i32
    %ge3A_577 = vector.broadcast %ge3A_576 : i32 to vector<16xi32>
    %ge3A_578 = arith.cmpi sge, %get3A_570, %ge3A_577 : vector<16xi32>
    %and3A_579 = arith.andi %ge3A_575, %ge3A_578 : vector<16xi1>
    %and3A_580 = arith.constant 255 : i32
    %and3A_581 = vector.broadcast %and3A_580 : i32 to vector<16xi32>
    %and3A_582 = arith.andi %get3A_572, %and3A_581 : vector<16xi32>
    %sub3A_583 = arith.constant 1 : i32
    %sub3A_584 = vector.broadcast %sub3A_583 : i32 to vector<16xi32>
    %sub3A_585 = arith.subi %and3A_582, %sub3A_584 : vector<16xi32>
    %jit3A_586 = arith.constant -100 : i32
    %broadcast_in_dim3A_587 = vector.broadcast %jit3A_586 : i32 to vector<16xi32>
    %select_n3A_588 = arith.select %and3A_579, %get3A_570, %broadcast_in_dim3A_587 : vector<16xi1>, vector<16xi32>
    %swap3A_589 = arith.constant 208 : index
    %swap3A_590 = tpu.vector_load %arg14[%swap3A_589] {strides = array<i32>} : memref<256xi32, #tpu.memory_space<vmem>>, vector<16xi32>,
    tpu.vector_store %arg14[%swap3A_589], %select_n3A_588 {strides = array<i32>} : memref<256xi32, #tpu.memory_space<vmem>>, vector<16xi32>,
    %ge3A_591 = arith.constant 0 : i32
    %ge3A_592 = vector.broadcast %ge3A_591 : i32 to vector<16xi32>
    %ge3A_593 = arith.cmpi sge, %sub3A_585, %ge3A_592 : vector<16xi32>
    %and3A_594 = arith.andi %and3A_579, %ge3A_593 : vector<16xi1>
    %select_n3A_595 = arith.select %and3A_594, %sub3A_585, %get3A_570 : vector<16xi1>, vector<16xi32>
    %swap3A_596 = arith.constant 208 : index
    %swap3A_597 = tpu.vector_load %arg12[%swap3A_596] {strides = array<i32>} : memref<256xi32, #tpu.memory_space<vmem>>, vector<16xi32>,
    tpu.vector_store %arg12[%swap3A_596], %select_n3A_595 {strides = array<i32>} : memref<256xi32, #tpu.memory_space<vmem>>, vector<16xi32>,
    %ne3A_598 = arith.constant 0 : i32
    %ne3A_599 = vector.broadcast %ne3A_598 : i32 to vector<16xi32>
    %ne3A_600 = arith.cmpi ne, %get3A_570, %ne3A_599 : vector<16xi32>
    %convert_element_type3A_601 = arith.extui %ne3A_600 : vector<16xi1> to vector<16xi32>
    %swap3A_602 = arith.constant 208 : index
    %swap3A_603 = tpu.vector_load %arg13[%swap3A_602] {strides = array<i32>} : memref<256xi32, #tpu.memory_space<vmem>>, vector<16xi32>,
    tpu.vector_store %arg13[%swap3A_602], %convert_element_type3A_601 {strides = array<i32>} : memref<256xi32, #tpu.memory_space<vmem>>, vector<16xi32>,
    %get3A_604 = arith.constant 208 : index
    %get3A_605 = tpu.vector_load %arg10[%get3A_604] {strides = array<i32>} : memref<256xf32, #tpu.memory_space<vmem>>, vector<16xf32>,
    %jit3A_606 = arith.constant 0.000000e+00 : f32
    %broadcast_in_dim3A_607 = vector.broadcast %jit3A_606 : f32 to vector<16xf32>
    %select_n3A_608 = arith.select %ne3A_600, %get3A_605, %broadcast_in_dim3A_607 : vector<16xi1>, vector<16xf32>
    %swap3A_609 = arith.constant 208 : index
    %swap3A_610 = tpu.vector_load %arg15[%swap3A_609] {strides = array<i32>} : memref<256xf32, #tpu.memory_space<vmem>>, vector<16xf32>,
    tpu.vector_store %arg15[%swap3A_609], %select_n3A_608 {strides = array<i32>} : memref<256xf32, #tpu.memory_space<vmem>>, vector<16xf32>,
    %get3A_611 = arith.constant 224 : index
    %get3A_612 = tpu.vector_load %arg9[%get3A_611] {strides = array<i32>} : memref<256xi32, #tpu.memory_space<vmem>>, vector<16xi32>,
    %get3A_613 = arith.constant 224 : index
    %get3A_614 = tpu.vector_load %arg11[%get3A_613] {strides = array<i32>} : memref<256xi32, #tpu.memory_space<vmem>>, vector<16xi32>,
    %ge3A_615 = arith.constant 256 : i32
    %ge3A_616 = vector.broadcast %ge3A_615 : i32 to vector<16xi32>
    %ge3A_617 = arith.cmpi sge, %get3A_614, %ge3A_616 : vector<16xi32>
    %ge3A_618 = arith.constant 4 : i32
    %ge3A_619 = vector.broadcast %ge3A_618 : i32 to vector<16xi32>
    %ge3A_620 = arith.cmpi sge, %get3A_612, %ge3A_619 : vector<16xi32>
    %and3A_621 = arith.andi %ge3A_617, %ge3A_620 : vector<16xi1>
    %and3A_622 = arith.constant 255 : i32
    %and3A_623 = vector.broadcast %and3A_622 : i32 to vector<16xi32>
    %and3A_624 = arith.andi %get3A_614, %and3A_623 : vector<16xi32>
    %sub3A_625 = arith.constant 1 : i32
    %sub3A_626 = vector.broadcast %sub3A_625 : i32 to vector<16xi32>
    %sub3A_627 = arith.subi %and3A_624, %sub3A_626 : vector<16xi32>
    %jit3A_628 = arith.constant -100 : i32
    %broadcast_in_dim3A_629 = vector.broadcast %jit3A_628 : i32 to vector<16xi32>
    %select_n3A_630 = arith.select %and3A_621, %get3A_612, %broadcast_in_dim3A_629 : vector<16xi1>, vector<16xi32>
    %swap3A_631 = arith.constant 224 : index
    %swap3A_632 = tpu.vector_load %arg14[%swap3A_631] {strides = array<i32>} : memref<256xi32, #tpu.memory_space<vmem>>, vector<16xi32>,
    tpu.vector_store %arg14[%swap3A_631], %select_n3A_630 {strides = array<i32>} : memref<256xi32, #tpu.memory_space<vmem>>, vector<16xi32>,
    %ge3A_633 = arith.constant 0 : i32
    %ge3A_634 = vector.broadcast %ge3A_633 : i32 to vector<16xi32>
    %ge3A_635 = arith.cmpi sge, %sub3A_627, %ge3A_634 : vector<16xi32>
    %and3A_636 = arith.andi %and3A_621, %ge3A_635 : vector<16xi1>
    %select_n3A_637 = arith.select %and3A_636, %sub3A_627, %get3A_612 : vector<16xi1>, vector<16xi32>
    %swap3A_638 = arith.constant 224 : index
    %swap3A_639 = tpu.vector_load %arg12[%swap3A_638] {strides = array<i32>} : memref<256xi32, #tpu.memory_space<vmem>>, vector<16xi32>,
    tpu.vector_store %arg12[%swap3A_638], %select_n3A_637 {strides = array<i32>} : memref<256xi32, #tpu.memory_space<vmem>>, vector<16xi32>,
    %ne3A_640 = arith.constant 0 : i32
    %ne3A_641 = vector.broadcast %ne3A_640 : i32 to vector<16xi32>
    %ne3A_642 = arith.cmpi ne, %get3A_612, %ne3A_641 : vector<16xi32>
    %convert_element_type3A_643 = arith.extui %ne3A_642 : vector<16xi1> to vector<16xi32>
    %swap3A_644 = arith.constant 224 : index
    %swap3A_645 = tpu.vector_load %arg13[%swap3A_644] {strides = array<i32>} : memref<256xi32, #tpu.memory_space<vmem>>, vector<16xi32>,
    tpu.vector_store %arg13[%swap3A_644], %convert_element_type3A_643 {strides = array<i32>} : memref<256xi32, #tpu.memory_space<vmem>>, vector<16xi32>,
    %get3A_646 = arith.constant 224 : index
    %get3A_647 = tpu.vector_load %arg10[%get3A_646] {strides = array<i32>} : memref<256xf32, #tpu.memory_space<vmem>>, vector<16xf32>,
    %jit3A_648 = arith.constant 0.000000e+00 : f32
    %broadcast_in_dim3A_649 = vector.broadcast %jit3A_648 : f32 to vector<16xf32>
    %select_n3A_650 = arith.select %ne3A_642, %get3A_647, %broadcast_in_dim3A_649 : vector<16xi1>, vector<16xf32>
    %swap3A_651 = arith.constant 224 : index
    %swap3A_652 = tpu.vector_load %arg15[%swap3A_651] {strides = array<i32>} : memref<256xf32, #tpu.memory_space<vmem>>, vector<16xf32>,
    tpu.vector_store %arg15[%swap3A_651], %select_n3A_650 {strides = array<i32>} : memref<256xf32, #tpu.memory_space<vmem>>, vector<16xf32>,
    %get3A_653 = arith.constant 240 : index
    %get3A_654 = tpu.vector_load %arg9[%get3A_653] {strides = array<i32>} : memref<256xi32, #tpu.memory_space<vmem>>, vector<16xi32>,
    %get3A_655 = arith.constant 240 : index
    %get3A_656 = tpu.vector_load %arg11[%get3A_655] {strides = array<i32>} : memref<256xi32, #tpu.memory_space<vmem>>, vector<16xi32>,
    %ge3A_657 = arith.constant 256 : i32
    %ge3A_658 = vector.broadcast %ge3A_657 : i32 to vector<16xi32>
    %ge3A_659 = arith.cmpi sge, %get3A_656, %ge3A_658 : vector<16xi32>
    %ge3A_660 = arith.constant 4 : i32
    %ge3A_661 = vector.broadcast %ge3A_660 : i32 to vector<16xi32>
    %ge3A_662 = arith.cmpi sge, %get3A_654, %ge3A_661 : vector<16xi32>
    %and3A_663 = arith.andi %ge3A_659, %ge3A_662 : vector<16xi1>
    %and3A_664 = arith.constant 255 : i32
    %and3A_665 = vector.broadcast %and3A_664 : i32 to vector<16xi32>
    %and3A_666 = arith.andi %get3A_656, %and3A_665 : vector<16xi32>
    %sub3A_667 = arith.constant 1 : i32
    %sub3A_668 = vector.broadcast %sub3A_667 : i32 to vector<16xi32>
    %sub3A_669 = arith.subi %and3A_666, %sub3A_668 : vector<16xi32>
    %jit3A_670 = arith.constant -100 : i32
    %broadcast_in_dim3A_671 = vector.broadcast %jit3A_670 : i32 to vector<16xi32>
    %select_n3A_672 = arith.select %and3A_663, %get3A_654, %broadcast_in_dim3A_671 : vector<16xi1>, vector<16xi32>
    %swap3A_673 = arith.constant 240 : index
    %swap3A_674 = tpu.vector_load %arg14[%swap3A_673] {strides = array<i32>} : memref<256xi32, #tpu.memory_space<vmem>>, vector<16xi32>,
    tpu.vector_store %arg14[%swap3A_673], %select_n3A_672 {strides = array<i32>} : memref<256xi32, #tpu.memory_space<vmem>>, vector<16xi32>,
    %ge3A_675 = arith.constant 0 : i32
    %ge3A_676 = vector.broadcast %ge3A_675 : i32 to vector<16xi32>
    %ge3A_677 = arith.cmpi sge, %sub3A_669, %ge3A_676 : vector<16xi32>
    %and3A_678 = arith.andi %and3A_663, %ge3A_677 : vector<16xi1>
    %select_n3A_679 = arith.select %and3A_678, %sub3A_669, %get3A_654 : vector<16xi1>, vector<16xi32>
    %swap3A_680 = arith.constant 240 : index
    %swap3A_681 = tpu.vector_load %arg12[%swap3A_680] {strides = array<i32>} : memref<256xi32, #tpu.memory_space<vmem>>, vector<16xi32>,
    tpu.vector_store %arg12[%swap3A_680], %select_n3A_679 {strides = array<i32>} : memref<256xi32, #tpu.memory_space<vmem>>, vector<16xi32>,
    %ne3A_682 = arith.constant 0 : i32
    %ne3A_683 = vector.broadcast %ne3A_682 : i32 to vector<16xi32>
    %ne3A_684 = arith.cmpi ne, %get3A_654, %ne3A_683 : vector<16xi32>
    %convert_element_type3A_685 = arith.extui %ne3A_684 : vector<16xi1> to vector<16xi32>
    %swap3A_686 = arith.constant 240 : index
    %swap3A_687 = tpu.vector_load %arg13[%swap3A_686] {strides = array<i32>} : memref<256xi32, #tpu.memory_space<vmem>>, vector<16xi32>,
    tpu.vector_store %arg13[%swap3A_686], %convert_element_type3A_685 {strides = array<i32>} : memref<256xi32, #tpu.memory_space<vmem>>, vector<16xi32>,
    %get3A_688 = arith.constant 240 : index
    %get3A_689 = tpu.vector_load %arg10[%get3A_688] {strides = array<i32>} : memref<256xf32, #tpu.memory_space<vmem>>, vector<16xf32>,
    %jit3A_690 = arith.constant 0.000000e+00 : f32
    %broadcast_in_dim3A_691 = vector.broadcast %jit3A_690 : f32 to vector<16xf32>
    %select_n3A_692 = arith.select %ne3A_684, %get3A_689, %broadcast_in_dim3A_691 : vector<16xi1>, vector<16xf32>
    %swap3A_693 = arith.constant 240 : index
    %swap3A_694 = tpu.vector_load %arg15[%swap3A_693] {strides = array<i32>} : memref<256xf32, #tpu.memory_space<vmem>>, vector<16xf32>,
    tpu.vector_store %arg15[%swap3A_693], %select_n3A_692 {strides = array<i32>} : memref<256xf32, #tpu.memory_space<vmem>>, vector<16xf32>,
    %iota3A = tpu.iota {dimensions = array<i32: 0>} : vector<16xi32>
    %mul3A_695 = arith.constant 4 : i32
    %mul3A_696 = vector.broadcast %mul3A_695 : i32 to vector<16xi32>
    %mul3A_697 = arith.muli %iota3A, %mul3A_696 : vector<16xi32>
    %add3A_698 = arith.constant 0 : i32
    %add3A_699 = vector.broadcast %add3A_698 : i32 to vector<16xi32>
    %add3A_700 = arith.addi %mul3A_697, %add3A_699 : vector<16xi32>
    %gather3A = tpu.vector_load_idx %arg15[%add3A_700] : memref<256xf32, #tpu.memory_space<vmem>>[vector<16xi32>], vector<16xf32>,
    %add3A_701 = arith.constant 1 : i32
    %add3A_702 = vector.broadcast %add3A_701 : i32 to vector<16xi32>
    %add3A_703 = arith.addi %add3A_700, %add3A_702 : vector<16xi32>
    %gather3A_704 = tpu.vector_load_idx %arg15[%add3A_703] : memref<256xf32, #tpu.memory_space<vmem>>[vector<16xi32>], vector<16xf32>,
    %add3A_705 = arith.addf %gather3A, %gather3A_704 : vector<16xf32>
    %add3A_706 = arith.constant 2 : i32
    %add3A_707 = vector.broadcast %add3A_706 : i32 to vector<16xi32>
    %add3A_708 = arith.addi %add3A_700, %add3A_707 : vector<16xi32>
    %gather3A_709 = tpu.vector_load_idx %arg15[%add3A_708] : memref<256xf32, #tpu.memory_space<vmem>>[vector<16xi32>], vector<16xf32>,
    %add3A_710 = arith.addf %add3A_705, %gather3A_709 : vector<16xf32>
    %add3A_711 = arith.constant 3 : i32
    %add3A_712 = vector.broadcast %add3A_711 : i32 to vector<16xi32>
    %add3A_713 = arith.addi %add3A_700, %add3A_712 : vector<16xi32>
    %gather3A_714 = tpu.vector_load_idx %arg15[%add3A_713] : memref<256xf32, #tpu.memory_space<vmem>>[vector<16xi32>], vector<16xf32>,
    %add3A_715 = arith.addf %add3A_710, %gather3A_714 : vector<16xf32>
    %swap3A_716 = arith.constant 0 : index
    %swap3A_717 = tpu.vector_load %arg17[%swap3A_716] {strides = array<i32>} : memref<64xf32, #tpu.memory_space<vmem>>, vector<16xf32>,
    tpu.vector_store %arg17[%swap3A_716], %add3A_715 {strides = array<i32>} : memref<64xf32, #tpu.memory_space<vmem>>, vector<16xf32>,
    %gather3A_718 = tpu.vector_load_idx %arg13[%add3A_700] : memref<256xi32, #tpu.memory_space<vmem>>[vector<16xi32>], vector<16xi32>,
    %add3A_719 = arith.constant 1 : i32
    %add3A_720 = vector.broadcast %add3A_719 : i32 to vector<16xi32>
    %add3A_721 = arith.addi %add3A_700, %add3A_720 : vector<16xi32>
    %gather3A_722 = tpu.vector_load_idx %arg13[%add3A_721] : memref<256xi32, #tpu.memory_space<vmem>>[vector<16xi32>], vector<16xi32>,
    %add3A_723 = arith.addi %gather3A_718, %gather3A_722 : vector<16xi32>
    %add3A_724 = arith.constant 2 : i32
    %add3A_725 = vector.broadcast %add3A_724 : i32 to vector<16xi32>
    %add3A_726 = arith.addi %add3A_700, %add3A_725 : vector<16xi32>
    %gather3A_727 = tpu.vector_load_idx %arg13[%add3A_726] : memref<256xi32, #tpu.memory_space<vmem>>[vector<16xi32>], vector<16xi32>,
    %add3A_728 = arith.addi %add3A_723, %gather3A_727 : vector<16xi32>
    %add3A_729 = arith.constant 3 : i32
    %add3A_730 = vector.broadcast %add3A_729 : i32 to vector<16xi32>
    %add3A_731 = arith.addi %add3A_700, %add3A_730 : vector<16xi32>
    %gather3A_732 = tpu.vector_load_idx %arg13[%add3A_731] : memref<256xi32, #tpu.memory_space<vmem>>[vector<16xi32>], vector<16xi32>,
    %add3A_733 = arith.addi %add3A_728, %gather3A_732 : vector<16xi32>
    %swap3A_734 = arith.constant 0 : index
    %swap3A_735 = tpu.vector_load %arg16[%swap3A_734] {strides = array<i32>} : memref<64xi32, #tpu.memory_space<vmem>>, vector<16xi32>,
    tpu.vector_store %arg16[%swap3A_734], %add3A_733 {strides = array<i32>} : memref<64xi32, #tpu.memory_space<vmem>>, vector<16xi32>,
    %add3A_736 = arith.constant 64 : i32
    %add3A_737 = vector.broadcast %add3A_736 : i32 to vector<16xi32>
    %add3A_738 = arith.addi %mul3A_697, %add3A_737 : vector<16xi32>
    %gather3A_739 = tpu.vector_load_idx %arg15[%add3A_738] : memref<256xf32, #tpu.memory_space<vmem>>[vector<16xi32>], vector<16xf32>,
    %add3A_740 = arith.constant 1 : i32
    %add3A_741 = vector.broadcast %add3A_740 : i32 to vector<16xi32>
    %add3A_742 = arith.addi %add3A_738, %add3A_741 : vector<16xi32>
    %gather3A_743 = tpu.vector_load_idx %arg15[%add3A_742] : memref<256xf32, #tpu.memory_space<vmem>>[vector<16xi32>], vector<16xf32>,
    %add3A_744 = arith.addf %gather3A_739, %gather3A_743 : vector<16xf32>
    %add3A_745 = arith.constant 2 : i32
    %add3A_746 = vector.broadcast %add3A_745 : i32 to vector<16xi32>
    %add3A_747 = arith.addi %add3A_738, %add3A_746 : vector<16xi32>
    %gather3A_748 = tpu.vector_load_idx %arg15[%add3A_747] : memref<256xf32, #tpu.memory_space<vmem>>[vector<16xi32>], vector<16xf32>,
    %add3A_749 = arith.addf %add3A_744, %gather3A_748 : vector<16xf32>
    %add3A_750 = arith.constant 3 : i32
    %add3A_751 = vector.broadcast %add3A_750 : i32 to vector<16xi32>
    %add3A_752 = arith.addi %add3A_738, %add3A_751 : vector<16xi32>
    %gather3A_753 = tpu.vector_load_idx %arg15[%add3A_752] : memref<256xf32, #tpu.memory_space<vmem>>[vector<16xi32>], vector<16xf32>,
    %add3A_754 = arith.addf %add3A_749, %gather3A_753 : vector<16xf32>
    %swap3A_755 = arith.constant 16 : index
    %swap3A_756 = tpu.vector_load %arg17[%swap3A_755] {strides = array<i32>} : memref<64xf32, #tpu.memory_space<vmem>>, vector<16xf32>,
    tpu.vector_store %arg17[%swap3A_755], %add3A_754 {strides = array<i32>} : memref<64xf32, #tpu.memory_space<vmem>>, vector<16xf32>,
    %gather3A_757 = tpu.vector_load_idx %arg13[%add3A_738] : memref<256xi32, #tpu.memory_space<vmem>>[vector<16xi32>], vector<16xi32>,
    %add3A_758 = arith.constant 1 : i32
    %add3A_759 = vector.broadcast %add3A_758 : i32 to vector<16xi32>
    %add3A_760 = arith.addi %add3A_738, %add3A_759 : vector<16xi32>
    %gather3A_761 = tpu.vector_load_idx %arg13[%add3A_760] : memref<256xi32, #tpu.memory_space<vmem>>[vector<16xi32>], vector<16xi32>,
    %add3A_762 = arith.addi %gather3A_757, %gather3A_761 : vector<16xi32>
    %add3A_763 = arith.constant 2 : i32
    %add3A_764 = vector.broadcast %add3A_763 : i32 to vector<16xi32>
    %add3A_765 = arith.addi %add3A_738, %add3A_764 : vector<16xi32>
    %gather3A_766 = tpu.vector_load_idx %arg13[%add3A_765] : memref<256xi32, #tpu.memory_space<vmem>>[vector<16xi32>], vector<16xi32>,
    %add3A_767 = arith.addi %add3A_762, %gather3A_766 : vector<16xi32>
    %add3A_768 = arith.constant 3 : i32
    %add3A_769 = vector.broadcast %add3A_768 : i32 to vector<16xi32>
    %add3A_770 = arith.addi %add3A_738, %add3A_769 : vector<16xi32>
    %gather3A_771 = tpu.vector_load_idx %arg13[%add3A_770] : memref<256xi32, #tpu.memory_space<vmem>>[vector<16xi32>], vector<16xi32>,
    %add3A_772 = arith.addi %add3A_767, %gather3A_771 : vector<16xi32>
    %swap3A_773 = arith.constant 16 : index
    %swap3A_774 = tpu.vector_load %arg16[%swap3A_773] {strides = array<i32>} : memref<64xi32, #tpu.memory_space<vmem>>, vector<16xi32>,
    tpu.vector_store %arg16[%swap3A_773], %add3A_772 {strides = array<i32>} : memref<64xi32, #tpu.memory_space<vmem>>, vector<16xi32>,
    %add3A_775 = arith.constant 128 : i32
    %add3A_776 = vector.broadcast %add3A_775 : i32 to vector<16xi32>
    %add3A_777 = arith.addi %mul3A_697, %add3A_776 : vector<16xi32>
    %gather3A_778 = tpu.vector_load_idx %arg15[%add3A_777] : memref<256xf32, #tpu.memory_space<vmem>>[vector<16xi32>], vector<16xf32>,
    %add3A_779 = arith.constant 1 : i32
    %add3A_780 = vector.broadcast %add3A_779 : i32 to vector<16xi32>
    %add3A_781 = arith.addi %add3A_777, %add3A_780 : vector<16xi32>
    %gather3A_782 = tpu.vector_load_idx %arg15[%add3A_781] : memref<256xf32, #tpu.memory_space<vmem>>[vector<16xi32>], vector<16xf32>,
    %add3A_783 = arith.addf %gather3A_778, %gather3A_782 : vector<16xf32>
    %add3A_784 = arith.constant 2 : i32
    %add3A_785 = vector.broadcast %add3A_784 : i32 to vector<16xi32>
    %add3A_786 = arith.addi %add3A_777, %add3A_785 : vector<16xi32>
    %gather3A_787 = tpu.vector_load_idx %arg15[%add3A_786] : memref<256xf32, #tpu.memory_space<vmem>>[vector<16xi32>], vector<16xf32>,
    %add3A_788 = arith.addf %add3A_783, %gather3A_787 : vector<16xf32>
    %add3A_789 = arith.constant 3 : i32
    %add3A_790 = vector.broadcast %add3A_789 : i32 to vector<16xi32>
    %add3A_791 = arith.addi %add3A_777, %add3A_790 : vector<16xi32>
    %gather3A_792 = tpu.vector_load_idx %arg15[%add3A_791] : memref<256xf32, #tpu.memory_space<vmem>>[vector<16xi32>], vector<16xf32>,
    %add3A_793 = arith.addf %add3A_788, %gather3A_792 : vector<16xf32>
    %swap3A_794 = arith.constant 32 : index
    %swap3A_795 = tpu.vector_load %arg17[%swap3A_794] {strides = array<i32>} : memref<64xf32, #tpu.memory_space<vmem>>, vector<16xf32>,
    tpu.vector_store %arg17[%swap3A_794], %add3A_793 {strides = array<i32>} : memref<64xf32, #tpu.memory_space<vmem>>, vector<16xf32>,
    %gather3A_796 = tpu.vector_load_idx %arg13[%add3A_777] : memref<256xi32, #tpu.memory_space<vmem>>[vector<16xi32>], vector<16xi32>,
    %add3A_797 = arith.constant 1 : i32
    %add3A_798 = vector.broadcast %add3A_797 : i32 to vector<16xi32>
    %add3A_799 = arith.addi %add3A_777, %add3A_798 : vector<16xi32>
    %gather3A_800 = tpu.vector_load_idx %arg13[%add3A_799] : memref<256xi32, #tpu.memory_space<vmem>>[vector<16xi32>], vector<16xi32>,
    %add3A_801 = arith.addi %gather3A_796, %gather3A_800 : vector<16xi32>
    %add3A_802 = arith.constant 2 : i32
    %add3A_803 = vector.broadcast %add3A_802 : i32 to vector<16xi32>
    %add3A_804 = arith.addi %add3A_777, %add3A_803 : vector<16xi32>
    %gather3A_805 = tpu.vector_load_idx %arg13[%add3A_804] : memref<256xi32, #tpu.memory_space<vmem>>[vector<16xi32>], vector<16xi32>,
    %add3A_806 = arith.addi %add3A_801, %gather3A_805 : vector<16xi32>
    %add3A_807 = arith.constant 3 : i32
    %add3A_808 = vector.broadcast %add3A_807 : i32 to vector<16xi32>
    %add3A_809 = arith.addi %add3A_777, %add3A_808 : vector<16xi32>
    %gather3A_810 = tpu.vector_load_idx %arg13[%add3A_809] : memref<256xi32, #tpu.memory_space<vmem>>[vector<16xi32>], vector<16xi32>,
    %add3A_811 = arith.addi %add3A_806, %gather3A_810 : vector<16xi32>
    %swap3A_812 = arith.constant 32 : index
    %swap3A_813 = tpu.vector_load %arg16[%swap3A_812] {strides = array<i32>} : memref<64xi32, #tpu.memory_space<vmem>>, vector<16xi32>,
    tpu.vector_store %arg16[%swap3A_812], %add3A_811 {strides = array<i32>} : memref<64xi32, #tpu.memory_space<vmem>>, vector<16xi32>,
    %add3A_814 = arith.constant 192 : i32
    %add3A_815 = vector.broadcast %add3A_814 : i32 to vector<16xi32>
    %add3A_816 = arith.addi %mul3A_697, %add3A_815 : vector<16xi32>
    %gather3A_817 = tpu.vector_load_idx %arg15[%add3A_816] : memref<256xf32, #tpu.memory_space<vmem>>[vector<16xi32>], vector<16xf32>,
    %add3A_818 = arith.constant 1 : i32
    %add3A_819 = vector.broadcast %add3A_818 : i32 to vector<16xi32>
    %add3A_820 = arith.addi %add3A_816, %add3A_819 : vector<16xi32>
    %gather3A_821 = tpu.vector_load_idx %arg15[%add3A_820] : memref<256xf32, #tpu.memory_space<vmem>>[vector<16xi32>], vector<16xf32>,
    %add3A_822 = arith.addf %gather3A_817, %gather3A_821 : vector<16xf32>
    %add3A_823 = arith.constant 2 : i32
    %add3A_824 = vector.broadcast %add3A_823 : i32 to vector<16xi32>
    %add3A_825 = arith.addi %add3A_816, %add3A_824 : vector<16xi32>
    %gather3A_826 = tpu.vector_load_idx %arg15[%add3A_825] : memref<256xf32, #tpu.memory_space<vmem>>[vector<16xi32>], vector<16xf32>,
    %add3A_827 = arith.addf %add3A_822, %gather3A_826 : vector<16xf32>
    %add3A_828 = arith.constant 3 : i32
    %add3A_829 = vector.broadcast %add3A_828 : i32 to vector<16xi32>
    %add3A_830 = arith.addi %add3A_816, %add3A_829 : vector<16xi32>
    %gather3A_831 = tpu.vector_load_idx %arg15[%add3A_830] : memref<256xf32, #tpu.memory_space<vmem>>[vector<16xi32>], vector<16xf32>,
    %add3A_832 = arith.addf %add3A_827, %gather3A_831 : vector<16xf32>
    %swap3A_833 = arith.constant 48 : index
    %swap3A_834 = tpu.vector_load %arg17[%swap3A_833] {strides = array<i32>} : memref<64xf32, #tpu.memory_space<vmem>>, vector<16xf32>,
    tpu.vector_store %arg17[%swap3A_833], %add3A_832 {strides = array<i32>} : memref<64xf32, #tpu.memory_space<vmem>>, vector<16xf32>,
    %gather3A_835 = tpu.vector_load_idx %arg13[%add3A_816] : memref<256xi32, #tpu.memory_space<vmem>>[vector<16xi32>], vector<16xi32>,
    %add3A_836 = arith.constant 1 : i32
    %add3A_837 = vector.broadcast %add3A_836 : i32 to vector<16xi32>
    %add3A_838 = arith.addi %add3A_816, %add3A_837 : vector<16xi32>
    %gather3A_839 = tpu.vector_load_idx %arg13[%add3A_838] : memref<256xi32, #tpu.memory_space<vmem>>[vector<16xi32>], vector<16xi32>,
    %add3A_840 = arith.addi %gather3A_835, %gather3A_839 : vector<16xi32>
    %add3A_841 = arith.constant 2 : i32
    %add3A_842 = vector.broadcast %add3A_841 : i32 to vector<16xi32>
    %add3A_843 = arith.addi %add3A_816, %add3A_842 : vector<16xi32>
    %gather3A_844 = tpu.vector_load_idx %arg13[%add3A_843] : memref<256xi32, #tpu.memory_space<vmem>>[vector<16xi32>], vector<16xi32>,
    %add3A_845 = arith.addi %add3A_840, %gather3A_844 : vector<16xi32>
    %add3A_846 = arith.constant 3 : i32
    %add3A_847 = vector.broadcast %add3A_846 : i32 to vector<16xi32>
    %add3A_848 = arith.addi %add3A_816, %add3A_847 : vector<16xi32>
    %gather3A_849 = tpu.vector_load_idx %arg13[%add3A_848] : memref<256xi32, #tpu.memory_space<vmem>>[vector<16xi32>], vector<16xi32>,
    %add3A_850 = arith.addi %add3A_845, %gather3A_849 : vector<16xi32>
    %swap3A_851 = arith.constant 48 : index
    %swap3A_852 = tpu.vector_load %arg16[%swap3A_851] {strides = array<i32>} : memref<64xi32, #tpu.memory_space<vmem>>, vector<16xi32>,
    tpu.vector_store %arg16[%swap3A_851], %add3A_850 {strides = array<i32>} : memref<64xi32, #tpu.memory_space<vmem>>, vector<16xi32>,
    %dma_start3A_853 = arith.constant 0 : i32
    %dma_start3A_854 = tpu.memref_slice %arg5[%dma_start3A_853, %mul3A_2] : memref<1x4096xi32, #tpu.memory_space<hbm>> -> memref<1x256xi32, #tpu.memory_space<hbm>>
    %dma_start3A_855 = tpu.memref_squeeze %dma_start3A_854 : memref<1x256xi32, #tpu.memory_space<hbm>> -> memref<256xi32, #tpu.memory_space<hbm>>
    %dma_start3A_856 = tpu.memref_slice %arg5[%dma_start3A_853, %mul3A_2] : memref<1x4096xi32, #tpu.memory_space<hbm>> -> memref<1x256xi32, #tpu.memory_space<hbm>>
    %dma_start3A_857 = tpu.memref_squeeze %dma_start3A_856 : memref<1x256xi32, #tpu.memory_space<hbm>> -> memref<256xi32, #tpu.memory_space<hbm>>
    tpu.enqueue_dma source(%arg12 : memref<256xi32, #tpu.memory_space<vmem>>) target(%dma_start3A_857 : memref<256xi32, #tpu.memory_space<hbm>>) target_semaphore(%arg18 : memref<!tpu.dma_semaphore, #tpu.memory_space<semaphore_mem>>)
    %dma_start3A_858 = arith.constant 0 : i32
    %dma_start3A_859 = tpu.memref_slice %arg7[%dma_start3A_858, %mul3A_2] : memref<1x4096xi32, #tpu.memory_space<hbm>> -> memref<1x256xi32, #tpu.memory_space<hbm>>
    %dma_start3A_860 = tpu.memref_squeeze %dma_start3A_859 : memref<1x256xi32, #tpu.memory_space<hbm>> -> memref<256xi32, #tpu.memory_space<hbm>>
    %dma_start3A_861 = tpu.memref_slice %arg7[%dma_start3A_858, %mul3A_2] : memref<1x4096xi32, #tpu.memory_space<hbm>> -> memref<1x256xi32, #tpu.memory_space<hbm>>
    %dma_start3A_862 = tpu.memref_squeeze %dma_start3A_861 : memref<1x256xi32, #tpu.memory_space<hbm>> -> memref<256xi32, #tpu.memory_space<hbm>>
    tpu.enqueue_dma source(%arg14 : memref<256xi32, #tpu.memory_space<vmem>>) target(%dma_start3A_862 : memref<256xi32, #tpu.memory_space<hbm>>) target_semaphore(%arg18 : memref<!tpu.dma_semaphore, #tpu.memory_space<semaphore_mem>>)
    %dma_start3A_863 = arith.constant 0 : i32
    %dma_start3A_864 = tpu.memref_slice %arg6[%dma_start3A_863, %mul3A_4] : memref<1x1024xi32, #tpu.memory_space<hbm>> -> memref<1x64xi32, #tpu.memory_space<hbm>>
    %dma_start3A_865 = tpu.memref_squeeze %dma_start3A_864 : memref<1x64xi32, #tpu.memory_space<hbm>> -> memref<64xi32, #tpu.memory_space<hbm>>
    %dma_start3A_866 = tpu.memref_slice %arg6[%dma_start3A_863, %mul3A_4] : memref<1x1024xi32, #tpu.memory_space<hbm>> -> memref<1x64xi32, #tpu.memory_space<hbm>>
    %dma_start3A_867 = tpu.memref_squeeze %dma_start3A_866 : memref<1x64xi32, #tpu.memory_space<hbm>> -> memref<64xi32, #tpu.memory_space<hbm>>
    tpu.enqueue_dma source(%arg16 : memref<64xi32, #tpu.memory_space<vmem>>) target(%dma_start3A_867 : memref<64xi32, #tpu.memory_space<hbm>>) target_semaphore(%arg18 : memref<!tpu.dma_semaphore, #tpu.memory_space<semaphore_mem>>)
    %dma_start3A_868 = arith.constant 0 : i32
    %dma_start3A_869 = tpu.memref_slice %arg8[%dma_start3A_868, %mul3A_4] : memref<1x1024xf32, #tpu.memory_space<hbm>> -> memref<1x64xf32, #tpu.memory_space<hbm>>
    %dma_start3A_870 = tpu.memref_squeeze %dma_start3A_869 : memref<1x64xf32, #tpu.memory_space<hbm>> -> memref<64xf32, #tpu.memory_space<hbm>>
    %dma_start3A_871 = tpu.memref_slice %arg8[%dma_start3A_868, %mul3A_4] : memref<1x1024xf32, #tpu.memory_space<hbm>> -> memref<1x64xf32, #tpu.memory_space<hbm>>
    %dma_start3A_872 = tpu.memref_squeeze %dma_start3A_871 : memref<1x64xf32, #tpu.memory_space<hbm>> -> memref<64xf32, #tpu.memory_space<hbm>>
    tpu.enqueue_dma source(%arg17 : memref<64xf32, #tpu.memory_space<vmem>>) target(%dma_start3A_872 : memref<64xf32, #tpu.memory_space<hbm>>) target_semaphore(%arg18 : memref<!tpu.dma_semaphore, #tpu.memory_space<semaphore_mem>>)
    %dma_wait3A_873 = arith.constant 0 : i32
    %dma_wait3A_874 = tpu.memref_slice %arg5[%dma_wait3A_873, %mul3A_2] : memref<1x4096xi32, #tpu.memory_space<hbm>> -> memref<1x256xi32, #tpu.memory_space<hbm>>
    %dma_wait3A_875 = tpu.memref_squeeze %dma_wait3A_874 : memref<1x256xi32, #tpu.memory_space<hbm>> -> memref<256xi32, #tpu.memory_space<hbm>>
    %dma_wait3A_876 = tpu.memref_slice %arg5[%dma_wait3A_873, %mul3A_2] : memref<1x4096xi32, #tpu.memory_space<hbm>> -> memref<1x256xi32, #tpu.memory_space<hbm>>
    %dma_wait3A_877 = tpu.memref_squeeze %dma_wait3A_876 : memref<1x256xi32, #tpu.memory_space<hbm>> -> memref<256xi32, #tpu.memory_space<hbm>>
    tpu.wait_dma2 semaphore(%arg18 : memref<!tpu.dma_semaphore, #tpu.memory_space<semaphore_mem>>) src(%arg12 : memref<256xi32, #tpu.memory_space<vmem>>) dst(%dma_wait3A_877 : memref<256xi32, #tpu.memory_space<hbm>>)
    %dma_wait3A_878 = arith.constant 0 : i32
    %dma_wait3A_879 = tpu.memref_slice %arg7[%dma_wait3A_878, %mul3A_2] : memref<1x4096xi32, #tpu.memory_space<hbm>> -> memref<1x256xi32, #tpu.memory_space<hbm>>
    %dma_wait3A_880 = tpu.memref_squeeze %dma_wait3A_879 : memref<1x256xi32, #tpu.memory_space<hbm>> -> memref<256xi32, #tpu.memory_space<hbm>>
    %dma_wait3A_881 = tpu.memref_slice %arg7[%dma_wait3A_878, %mul3A_2] : memref<1x4096xi32, #tpu.memory_space<hbm>> -> memref<1x256xi32, #tpu.memory_space<hbm>>
    %dma_wait3A_882 = tpu.memref_squeeze %dma_wait3A_881 : memref<1x256xi32, #tpu.memory_space<hbm>> -> memref<256xi32, #tpu.memory_space<hbm>>
    tpu.wait_dma2 semaphore(%arg18 : memref<!tpu.dma_semaphore, #tpu.memory_space<semaphore_mem>>) src(%arg14 : memref<256xi32, #tpu.memory_space<vmem>>) dst(%dma_wait3A_882 : memref<256xi32, #tpu.memory_space<hbm>>)
    %dma_wait3A_883 = arith.constant 0 : i32
    %dma_wait3A_884 = tpu.memref_slice %arg6[%dma_wait3A_883, %mul3A_4] : memref<1x1024xi32, #tpu.memory_space<hbm>> -> memref<1x64xi32, #tpu.memory_space<hbm>>
    %dma_wait3A_885 = tpu.memref_squeeze %dma_wait3A_884 : memref<1x64xi32, #tpu.memory_space<hbm>> -> memref<64xi32, #tpu.memory_space<hbm>>
    %dma_wait3A_886 = tpu.memref_slice %arg6[%dma_wait3A_883, %mul3A_4] : memref<1x1024xi32, #tpu.memory_space<hbm>> -> memref<1x64xi32, #tpu.memory_space<hbm>>
    %dma_wait3A_887 = tpu.memref_squeeze %dma_wait3A_886 : memref<1x64xi32, #tpu.memory_space<hbm>> -> memref<64xi32, #tpu.memory_space<hbm>>
    tpu.wait_dma2 semaphore(%arg18 : memref<!tpu.dma_semaphore, #tpu.memory_space<semaphore_mem>>) src(%arg16 : memref<64xi32, #tpu.memory_space<vmem>>) dst(%dma_wait3A_887 : memref<64xi32, #tpu.memory_space<hbm>>)
    %dma_wait3A_888 = arith.constant 0 : i32
    %dma_wait3A_889 = tpu.memref_slice %arg8[%dma_wait3A_888, %mul3A_4] : memref<1x1024xf32, #tpu.memory_space<hbm>> -> memref<1x64xf32, #tpu.memory_space<hbm>>
    %dma_wait3A_890 = tpu.memref_squeeze %dma_wait3A_889 : memref<1x64xf32, #tpu.memory_space<hbm>> -> memref<64xf32, #tpu.memory_space<hbm>>
    %dma_wait3A_891 = tpu.memref_slice %arg8[%dma_wait3A_888, %mul3A_4] : memref<1x1024xf32, #tpu.memory_space<hbm>> -> memref<1x64xf32, #tpu.memory_space<hbm>>
    %dma_wait3A_892 = tpu.memref_squeeze %dma_wait3A_891 : memref<1x64xf32, #tpu.memory_space<hbm>> -> memref<64xf32, #tpu.memory_space<hbm>>
    tpu.wait_dma2 semaphore(%arg18 : memref<!tpu.dma_semaphore, #tpu.memory_space<semaphore_mem>>) src(%arg17 : memref<64xf32, #tpu.memory_space<vmem>>) dst(%dma_wait3A_892 : memref<64xf32, #tpu.memory_space<hbm>>)
    return
  }
}

</mosaic_0001>

<sc_bundles>
// kernel: patchifier_transform_sc.3.cloned.1.call-start
scs
__scs_entry_jumppad:
0x0: {  	(pc) =	sbr.rel $0x88, $3  }
0x1: {  	(tag) =	ssettag $0x0;
	lr =	simm.s32 $0x1  }
0x2: {  	[smem:$0x3F9F] =	sst lr;
	_ =	strace $0xD0000000  }
0x3: {  	_ = 	snop  }
0x4: {  	_ = 	snop  }
0x5: {  	_ = 	snop  }
0x6: {  	_ = 	snop  }
0x7: {  	_ = 	snop  }
__scs_overlays_trampoline_lowered:
0x8: {  	[smem:$0x3FAE] =	sst s0  }
0x9: {  	[smem:$0x3FAF] =	sst s1  }
0xa: {  	[smem:$0x3FB0] =	sst s2  }
0xb: {  	[smem:$0x3FB1] =	sst s3  }
0xc: {  	[smem:$0x3FB2] =	sst s4  }
0xd: {  	[smem:$0x3FB3] =	sst s5  }
0xe: {  	[smem:$0x3FB4] =	sst s6  }
0xf: {  	[smem:$0x3FB5] =	sst s7  }
0x10: {  	[smem:$0x3FB6] =	sst s8  }
0x11: {  	[smem:$0x3FB7] =	sst s9;
	s0 =	simm.s32 @!p0 $0x0  }
0x12: {  	s1 =	sld [smem:$0x3F9D];
	s0 =	simm.s32 @p0 $0x1  }
0x13: {  	[smem:$0x3FB8] =	sst s0;
	s0 =	simm.s32 @!p1 $0x0  }
0x14: {  	s2 =	sld [smem:$0x3F9C];
	s0 =	simm.s32 @p1 $0x1  }
0x15: {  	[smem:$0x3FB9] =	sst s0;
	s0 =	simm.s32 @!p2 $0x0  }
0x16: {  	s3 =	sld [smem:$0x3FDB];
	s0 =	simm.s32 @p2 $0x1  }
0x17: {  	s4 =	simm.s32 $0x1BF5;
	[smem:$0x3FBB] =	sst s0  }
0x18: {  	s0 =	sld [smem:$0x3F9E];
	_ =	swait.ge [sflag:s4], $0x0  }
0x19: {  	s7 =	sld [smem:$0x3F9F]  }
0x1a: {  	s8 =	sadd.s32 $0xFFFFE003, lr  }
0x1b: {  	s9 =	sadd.s32 $0xFFFFFEF7, lr;
	s5 =	simm.s32 $0xFFFFFFFF;
	p2 =	slt.u32 s8, $0xFFFFF086  }
0x1c: {  	p1 =	slt.u32 s9, $0xF7A;
	s5 =	simm.s32 @!p2 $0x0  }
0x1d: {  	s5 =	simm.s32 @p1 $0x1;
	p0 =	seq.s32 s7, s2  }
0x1e: {  	s7 =	smul.u32 @!p0 $0xF7A, s2;
	p2 =	seq.s32 @!p0 s5, $0x0  }
0x1f: {  	s9 =	smul.u32 $0xF7A, s1;
	s8 =	simm.s32 @!p0 $0x1BF5;
	p2 =	por !p2, p0  }
0x20: {  	[sflag:s8] =	ssyncset.s32 @!p0 $0xFFFFF086;
	s6 =	sadd.s32 @!p0 s3, s7;
	s7 =	simm.s32 @!p0 $0x108  }
0x21: {  	s3 =	sadd.s32 s3, s9;
	s6 =	sadd.s32 @!p0 $0x88, s6;
	s7 =	simm.s32 @p2 $0x1082  }
0x22: {  	[simem:s7], [sflag:s8] =	dma.local @!p0 [hbm:s6], $0xF7A  }
0x23: {  	s9 =	sor.u32 $0xD0000000, s2;
	s6 =	simm.s32 $0x108;
	_ =	swait.ge @!p0 [sflag:s8], $0x0  }
0x24: {  	s3 =	sadd.s32 $0x88, s3;
	s6 =	simm.s32 @!p1 $0x1082;
	[sflag:s4] =	ssyncset.s32 $0xFFFFF086  }
0x25: {  	[simem:s6], [sflag:s4] =	dma.local [hbm:s3], $0xF7A  }
0x26: {  	[smem:$0x3F9F] =	sst s1;
	(tag) =	ssettag s2;
	_ =	strace s9  }
0x27: {  	s1 =	sld [smem:$0x3FAF]  }
0x28: {  	s2 =	sld [smem:$0x3FB0]  }
0x29: {  	s4 =	sld [smem:$0x3FB2]  }
0x2a: {  	p0 =	seq.s32 s5, $0x0;
	s5 =	sld [smem:$0x3FB3]  }
0x2b: {  	s6 =	sld [smem:$0x3FB4]  }
0x2c: {  	s7 =	sld [smem:$0x3FB5]  }
0x2d: {  	s3 =	simm.s32 $0x108;
	s8 =	sld [smem:$0x3FB6]  }
0x2e: {  	s3 =	simm.s32 @!p0 $0x1082;
	s9 =	sld [smem:$0x3FB7]  }
0x2f: {  	lr =	sadd.s32 s0, s3;
	s0 =	sld [smem:$0x3FAE]  }
0x30: {  	s3 =	sld [smem:$0x3FB1]  }
0x31: {  	[smem:$0x3FBA] =	sst s10  }
0x32: {  	s10 =	sld [smem:$0x3FB8];
	_ =	sdelay $0x3  }
0x33: {  	p0 =	seq.s32 s10, $0x1;
	s10 =	sld [smem:$0x3FBA];
	_ =	sdelay $0x3  }
0x34: {  	[smem:$0x3FBA] =	sst s10  }
0x35: {  	s10 =	sld [smem:$0x3FB9];
	_ =	sdelay $0x3  }
0x36: {  	p1 =	seq.s32 s10, $0x1;
	s10 =	sld [smem:$0x3FBA];
	_ =	sdelay $0x3  }
0x37: {  	[smem:$0x3FBA] =	sst s10  }
0x38: {  	s10 =	sld [smem:$0x3FBB]  }
0x39: {  	_ = 	snop;
	(pc) =	sbr.ind lr, $3  }
0x3a: {  	_ = 	snop  }
0x3b: {  	_ = 	snop  }
0x3c: {  	p2 =	seq.s32 s10, $0x1;
	s10 =	sld [smem:$0x3FBA]  }
0x3d: {  	_ =	shalt  }
0x3e: {  	_ =	shalt  }
0x3f: {  	_ =	shalt  }
0x40: {  	_ =	shalt  }
0x41: {  	_ =	shalt  }
0x42: {  	_ =	shalt  }
0x43: {  	_ =	shalt  }
0x44: {  	_ =	shalt  }
0x45: {  	_ =	shalt  }
0x46: {  	_ =	shalt  }
0x47: {  	_ =	shalt  }
0x48: {  	_ =	shalt  }
0x49: {  	_ =	shalt  }
0x4a: {  	_ =	shalt  }
0x4b: {  	_ =	shalt  }
0x4c: {  	_ =	shalt  }
0x4d: {  	_ =	shalt  }
0x4e: {  	_ =	shalt  }
0x4f: {  	_ =	shalt  }
0x50: {  	_ =	shalt  }
0x51: {  	_ =	shalt  }
0x52: {  	_ =	shalt  }
0x53: {  	_ =	shalt  }
0x54: {  	_ =	shalt  }
0x55: {  	_ =	shalt  }
0x56: {  	_ =	shalt  }
0x57: {  	_ =	shalt  }
0x58: {  	_ =	shalt  }
0x59: {  	_ =	shalt  }
0x5a: {  	_ =	shalt  }
0x5b: {  	_ =	shalt  }
0x5c: {  	_ =	shalt  }
0x5d: {  	_ =	shalt  }
0x5e: {  	_ =	shalt  }
0x5f: {  	_ =	shalt  }
0x60: {  	_ =	shalt  }
0x61: {  	_ =	shalt  }
0x62: {  	_ =	shalt  }
0x63: {  	_ =	shalt  }
0x64: {  	_ =	shalt  }
0x65: {  	_ =	shalt  }
0x66: {  	_ =	shalt  }
0x67: {  	_ =	shalt  }
0x68: {  	_ =	shalt  }
0x69: {  	_ =	shalt  }
0x6a: {  	_ =	shalt  }
0x6b: {  	_ =	shalt  }
0x6c: {  	_ =	shalt  }
0x6d: {  	_ =	shalt  }
0x6e: {  	_ =	shalt  }
0x6f: {  	_ =	shalt  }
0x70: {  	_ =	shalt  }
0x71: {  	_ =	shalt  }
0x72: {  	_ =	shalt  }
0x73: {  	_ =	shalt  }
0x74: {  	_ =	shalt  }
0x75: {  	_ =	shalt  }
0x76: {  	_ =	shalt  }
0x77: {  	_ =	shalt  }
0x78: {  	_ =	shalt  }
0x79: {  	_ =	shalt  }
0x7a: {  	_ =	shalt  }
0x7b: {  	_ =	shalt  }
0x7c: {  	_ =	shalt  }
0x7d: {  	_ =	shalt  }
0x7e: {  	_ =	shalt  }
0x7f: {  	_ =	shalt  }
0x80: {  	_ =	shalt  }
0x81: {  	_ =	shalt  }
0x82: {  	_ =	shalt  }
0x83: {  	_ =	shalt  }
0x84: {  	_ =	shalt  }
0x85: {  	_ =	shalt  }
0x86: {  	_ =	shalt  }
0x87: {  	_ =	shalt  }
.Lfunc_end0:
.L_simem_size_0:
called_computation_lowered:
.L_overlay_start_0:
0x88: {  	s0 =	sld [smem:$0x3FD9]  }
0x89: {  	s1 =	sld [smem:$0x3FFE];
	_ =	sdelay $0x3  }
0x8a: {  	s0 =	sadd.s32 s1, s0  }
0x8b: {  	[smem:$0x3FC6] =	sst s0  }
0x8c: {  	_ = 	snop  }
0x8d: {  	s0 =	sld [smem:$0x3FD0];
	_ =	sdelay $0x1  }
0x8e: {  	s13 =	sld [smem:$0x3FC9]  }
0x8f: {  	s3 =	simm.s32 $0xA;
	s4 =	simm.s32 $0x10;
	s2 =	sld [smem:$0x3FC8]  }
0x90: {  	[smem:s4], [sflag:s3] =	dma.local [hbm:s0], $0x1  }
0x91: {  	_ =	swait.eq [sflag:s3], $0x1  }
0x92: {  	s14 =	sld [smem:$0x10]  }
0x93: {  	s15 =	sld [smem:$0x12];
	[sflag:s3] =	ssyncset.done $0x0  }
0x94: {  	s5 =	sld [smem:$0x14];
	[sflag:s3] =	ssyncadd.s32 $0xFFFFFFFF  }
0x95: {  	s16 =	sld [smem:$0x15];
	(tm) =	ssettm $0x1  }
0x96: {  	s6 =	sld [smem:$0x3FFB];
	_ =	sdelay $0x3  }
0x97: {  	_ =	strace s6  }
0x98: {  	s6 =	sld [smem:$0x3FFC];
	_ =	sdelay $0x3  }
0x99: {  	_ =	strace s6  }
0x9a: {  	s6 =	sld [smem:$0x3FFD];
	_ =	sdelay $0x3  }
0x9b: {  	_ =	strace s6  }
0x9c: {  	_ =	strace $0x8FFFFFFF  }
0x9d: {  	s17 =	sld [smem:$0x3FDB];
	_ =	sdelay $0x1  }
0x9e: {  	s7 =	simm.s32 $_scs_section_size  }
0x9f: {  	s8 =	simm.s32 $_size__tile_overlayer_lowered;
	s9 =	simm.s32 $_tile_overlayer_lowered  }
0xa0: {  	s20 =	simm.s32 $0x1BFF;
	s19 =	sshll.u32 s9, $0x1;
	s6 =	sadd.s32 s7, s17  }
0xa1: {  	s10 =	simm.s32 $0x0;
	s18 =	sshll.u32 s8, $0x1;
	s8 =	sadd.s32 s19, s6  }
0xa2: {  	[timem:s10], [sflag:s20] =	dma.local [hbm:s8], s18  }
0xa3: {  	_ =	swait.ge [sflag:s20], s18  }
0xa4: {  	s7 =	ssub.s32 $0x0, s18;
	[sflag:s20] =	ssyncset.done $0x0  }
0xa5: {  	[sflag:s20] =	ssyncadd.s32 s7;
	_ =	sdelay $0x1  }
0xa6: {  	s21 =	simm.s32 $0x1B8B  }
0xa7: {  	_ =	swait.ge [sflag:s21], $0x1  }
0xa8: {  	[sflag:s21] =	ssyncset.done $0x0  }
0xa9: {  	s23 =	simm.s32 $0x1B8E;
	s22 =	sld [smem:$0x3FFE];
	[sflag:s21] =	ssyncadd.s32 $0xFFFFFFFF  }
0xaa: {  	s24 =	simm.s32 $execute0_lowered;
	[smem:$0x3FD2] =	sst s23  }
0xab: {  	s8 =	sshll.u32 s24, $0x1;
	_ =	strace $0x80000046;
	[dreg:$0x1] =	wrdreg $0xFFFFFFFF  }
0xac: {  	s25 =	simm.s32 $_size_execute0_lowered;
	s6 =	sadd.s32 s6, s8;
	[dreg:$0x0] =	wrdreg $0x0  }
0xad: {  	s8 =	sshll.u32 s25, $0x1;
	[dreg:$0x2] =	wrdreg s6  }
0xae: {  	[dreg:$0x3] =	wrdreg s8  }
0xaf: {  	[dreg:$0x4] =	wrdreg $0xC0  }
0xb0: {  	_ =	task [dreg:s10], $0x5FFFF  }
0xb1: {  	[dreg:$0x1] =	wrdreg $0xFFFFFFFF  }
0xb2: {  	[dreg:$0x0] =	wrdreg $0x60  }
0xb3: {  	[dreg:$0x2] =	wrdreg s13  }
0xb4: {  	[dreg:$0x3] =	wrdreg s2  }
0xb5: {  	[dreg:$0x4] =	wrdreg s22  }
0xb6: {  	[dreg:$0x5] =	wrdreg s14  }
0xb7: {  	[dreg:$0x6] =	wrdreg s15  }
0xb8: {  	[dreg:$0x7] =	wrdreg s5  }
0xb9: {  	[dreg:$0x8] =	wrdreg s16  }
0xba: {  	[dreg:$0x9] =	wrdreg $0x9  }
0xbb: {  	_ =	task.clear_ibuf [dreg:s10], $0xAFFFF;
	_ =	strace $0x90000046  }
0xbc: {  	s26 =	simm.s32 $0x9;
	_ =	strace $0x80000048  }
0xbd: {  	_ =	swait.ge [sflag:s26], $0x1  }
0xbe: {  	[sflag:s26] =	ssyncadd.s32 $0xFFFFFFFF  }
0xbf: {  	_ =	strace $0x90000048  }
0xc0: {  	_ =	sfence  }
0xc1: {  	s28 =	sld [smem:$0x0];
	_ =	sdelay $0x1  }
0xc2: {  	s29 =	srdreg.scid  }
0xc3: {  	s30 =	sshll.u32 s29, $0xD;
	s31 =	sshrl.u32 s29, $0x2  }
0xc4: {  	s1 =	sand.u32 $0x1, s29;
	s2 =	sand.u32 $0x4000, s30;
	s0 =	sadd.s32 s31, s28  }
0xc5: {  	s1 =	sor.u32 s2, s1;
	s0 =	sshll.u32 s0, $0x11  }
0xc6: {  	s0 =	sor.u32 s0, s1  }
0xc7: {  	s0 =	sadd.s32 $0x8F2B, s0  }
0xc8: {  	[sflag:s0] =	ssyncadd.remote.s32 $0x1  }
0xc9: {  	_ =	sfence.sel $0xFFFF  }
0xca: {  	[dreg:$0x0] =	wrdreg $0xFFFFFFFF;
	(pc) =	sbr.abs _section_cstart, $3  }
0xcb: {  	[dreg:$0x1] =	wrdreg $0xFFFFFFFF  }
0xcc: {  	_ =	task.clear_ibuf [dreg:s10], $0x2FFFF;
	_ =	strace $0x9FFFFFFF  }
0xcd: {  	(tm) =	ssettm $0x7FFFFFFF  }
tec
execute0_lowered:
.L_overlay_start_1:
0x0: {  	(tag) =	ssettag $0x1  }
0x1: {  	s5 =	rddreg [dreg:$0x0]  }
0x2: {  	s9 =	rddreg [dreg:$0x1]  }
0x3: {  	s10 =	rddreg [dreg:$0x2]  }
0x4: {  	s7 =	rddreg [dreg:$0x3]  }
0x5: {  	s4 =	rddreg [dreg:$0x4]  }
0x6: {  	s6 =	rddreg [dreg:$0x5]  }
0x7: {  	s2 =	rddreg [dreg:$0x6];
	s3 =	simm.s32 $0x0;
	s1 =	stileid.u32  }
0x8: {  	[smem:$0x7FF] =	sst s3;
	s8 =	sshll.u32 s1, $0x5  }
0x9: {  	s0 =	rddreg [dreg:$0x7];
	_ =	strace $0x80000047;
	s5 =	sadd.s32 s5, s8  }
0xa: {  	[tilespmem:s3], [sflag:$0x1] =	stream.linear.gather [hbm4b:s5+s3], $0x100, $0x38;
	[tilespmem:$0x800] =	vst v63  }
0xb: {  	s20 =	simm.s32 $0x100;
	s19 =	sadd.s32 s9, s8  }
0xc: {  	[tilespmem:s20], [sflag:$0x1] =	stream.linear.gather [hbm4b:s19+s3], $0x100, $0x38;
	[tilespmem:$0x800] =	vst v63  }
0xd: {  	s22 =	simm.s32 $0x200;
	s23 =	simm.s32 $0x1;
	s21 =	sadd.s32 s10, s8  }
0xe: {  	[tilespmem:s22], [sflag:$0x1] =	stream.linear.gather [hbm4b:s21+s3], $0x100, $0x38;
	[tilespmem:$0x800] =	vst v63  }
0xf: {  	_ =	swait.ge [sflag:s23], $0x100  }
0x10: {  	[sflag:s23] =	ssyncset.done $0x0  }
0x11: {  	[sflag:s23] =	ssyncadd.s32 $0xFFFFFF00  }
0x12: {  	_ =	swait.ge [sflag:s23], $0x100  }
0x13: {  	[sflag:s23] =	ssyncset.done $0x0  }
0x14: {  	[sflag:s23] =	ssyncadd.s32 $0xFFFFFF00  }
0x15: {  	_ =	swait.ge [sflag:s23], $0x100  }
0x16: {  	[sflag:s23] =	ssyncset.done $0x0  }
0x17: {  	[sflag:s23] =	ssyncadd.s32 $0xFFFFFF00  }
0x18: {  	v0 =	vld [tilespmem:$0x0]  }
0x19: {  	v1 =	vld [tilespmem:$0x200]  }
0x1a: {  	v2 =	vld [tilespmem:$0x10]  }
0x1b: {  	v3 =	vld [tilespmem:$0x210]  }
0x1c: {  	v4 =	vld [tilespmem:$0x100]  }
0x1d: {  	v6 =	vld [tilespmem:$0x20]  }
0x1e: {  	v7 =	vld [tilespmem:$0x220]  }
0x1f: {  	v49 =	vld [tilespmem:$0x110]  }
0x20: {  	v56 =	vld [tilespmem:$0x120];
	vm0 =	vgt.s32 v1, $0xFF  }
0x21: {  	vm1 =	vgt.s32 v0, $0x3;
	v1 =	vand.u32 $0xFF, v1;
	vm14 =	vne.s32 v0, $0x0  }
0x22: {  	vm15 =	vgt.s32 v3, $0xFF;
	vm2 =	vgt.s32 v2, $0x3;
	v3 =	vand.u32 $0xFF, v3  }
0x23: {  	v51 =	vld [tilespmem:$0x30];
	vm6 =	vne.s32 v2, $0x0;
	vm7 =	vgt.s32 v7, $0xFF;
	v50 =	vnsel vm14, $0x0, v4  }
0x24: {  	v53 =	vld [tilespmem:$0x230];
	vm8 =	vgt.s32 v6, $0x3;
	vm11 =	vne.s32 v6, $0x0;
	v57 =	vnsel vm6, $0x0, v49;
	[tilespmem:$0x600] =	vst v50  }
0x25: {  	v60 =	vld [tilespmem:$0x240];
	vm0 =	vmand vm1, vm0;
	vm13 =	vne.s32 v1, $0x0;
	v63 =	vnsel vm11, $0x0, v56;
	[tilespmem:$0x610] =	vst v57  }
0x26: {  	v62 =	vld [tilespmem:$0x130];
	v1 =	vadd.s32 $0xFFFFFFFF, v1;
	vm1 =	vmand vm2, vm15;
	v5 =	vnsel vm0, $0xFFFFFF9C, v0;
	[tilespmem:$0x620] =	vst v63  }
0x27: {  	v11 =	vld [tilespmem:$0x250];
	vm4 =	vne.s32 v3, $0x0;
	vm0 =	vmand vm0, vm13;
	v52 =	vnsel vm1, $0xFFFFFF9C, v2;
	[tilespmem:$0x500] =	vst v5  }
0x28: {  	v3 =	vadd.s32 $0xFFFFFFFF, v3;
	vm5 =	vmand vm1, vm4;
	v1 =	vsel vm0, v1, v0;
	[tilespmem:$0x510] =	vst v52  }
0x29: {  	v18 =	vld [tilespmem:$0x260];
	vm1 =	vmand vm8, vm7;
	v3 =	vsel vm5, v3, v2;
	[tilespmem:$0x300] =	vst v1  }
0x2a: {  	v25 =	vld [tilespmem:$0x270];
	v54 =	vand.u32 $0xFF, v7;
	vm4 =	vne.s32 v51, $0x0;
	v59 =	vnsel vm1, $0xFFFFFF9C, v6;
	[tilespmem:$0x310] =	vst v3  }
0x2b: {  	v58 =	vld [tilespmem:$0x40];
	vm12 =	vgt.s32 v53, $0xFF;
	v0 =	vimm.s32 $0x0;
	v15 =	vnsel vm4, $0x0, v62;
	[tilespmem:$0x520] =	vst v59  }
0x2c: {  	v12 =	vand.u32 $0xFF, v60;
	v19 =	vand.u32 $0xFF, v11;
	v48 =	vsel vm14, $0x1, v0;
	[tilespmem:$0x630] =	vst v15  }
0x2d: {  	v14 =	vld [tilespmem:$0x140];
	vm9 =	vne.s32 v54, $0x0;
	vm13 =	vgt.s32 v51, $0x3;
	v55 =	vsel vm6, $0x1, v0;
	[tilespmem:$0x400] =	vst v48  }
0x2e: {  	vm10 =	vmand vm1, vm9;
	vm1 =	vmand vm13, vm12;
	v61 =	vsel vm11, $0x1, v0;
	[tilespmem:$0x410] =	vst v55  }
0x2f: {  	v32 =	vld [tilespmem:$0x280];
	v26 =	vand.u32 $0xFF, v18;
	v33 =	vand.u32 $0xFF, v25;
	v10 =	vnsel vm1, $0xFFFFFF9C, v51;
	[tilespmem:$0x420] =	vst v61  }
0x30: {  	v9 =	vld [tilespmem:$0x50];
	v2 =	vand.u32 $0xFF, v53;
	vm9 =	vne.s32 v58, $0x0;
	v13 =	vsel vm4, $0x1, v0;
	[tilespmem:$0x530] =	vst v10  }
0x31: {  	vm5 =	vgt.s32 v60, $0xFF;
	v1 =	vadd.s32 $0xFFFFFFFF, v54;
	v20 =	vsel vm9, $0x1, v0;
	[tilespmem:$0x430] =	vst v13  }
0x32: {  	v21 =	vld [tilespmem:$0x150];
	vm14 =	vne.s32 v2, $0x0;
	v2 =	vadd.s32 $0xFFFFFFFF, v2;
	v22 =	vnsel vm9, $0x0, v14;
	[tilespmem:$0x440] =	vst v20  }
0x33: {  	v39 =	vld [tilespmem:$0x290];
	vm6 =	vgt.s32 v58, $0x3;
	v1 =	vsel vm10, v1, v6;
	vm15 =	vmand vm1, vm14;
	[tilespmem:$0x640] =	vst v22  }
0x34: {  	v16 =	vld [tilespmem:$0x60];
	v40 =	vand.u32 $0xFF, v32;
	vm1 =	vmand vm6, vm5;
	[tilespmem:$0x320] =	vst v1;
	v2 =	vsel vm15, v2, v51  }
0x35: {  	vm7 =	vne.s32 v12, $0x0;
	vm14 =	vne.s32 v9, $0x0;
	v17 =	vnsel vm1, $0xFFFFFF9C, v58;
	[tilespmem:$0x330] =	vst v2  }
0x36: {  	v28 =	vld [tilespmem:$0x160];
	vm11 =	vgt.s32 v9, $0x3;
	vm10 =	vgt.s32 v11, $0xFF;
	v27 =	vsel vm14, $0x1, v0;
	[tilespmem:$0x540] =	vst v17  }
0x37: {  	v23 =	vld [tilespmem:$0x70];
	v1 =	vadd.s32 $0xFFFFFFFF, v12;
	vm8 =	vmand vm1, vm7;
	v29 =	vnsel vm14, $0x0, v21;
	[tilespmem:$0x450] =	vst v27  }
0x38: {  	v46 =	vld [tilespmem:$0x2A0];
	v47 =	vand.u32 $0xFF, v39;
	vm1 =	vmand vm11, vm10;
	v1 =	vsel vm8, v1, v58;
	[tilespmem:$0x650] =	vst v29  }
0x39: {  	vm12 =	vne.s32 v19, $0x0;
	vm7 =	vne.s32 v16, $0x0;
	v24 =	vnsel vm1, $0xFFFFFF9C, v9;
	[tilespmem:$0x340] =	vst v1  }
0x3a: {  	v35 =	vld [tilespmem:$0x170];
	vm4 =	vgt.s32 v16, $0x3;
	vm15 =	vgt.s32 v18, $0xFF;
	v34 =	vsel vm7, $0x1, v0;
	[tilespmem:$0x550] =	vst v24  }
0x3b: {  	v2 =	vadd.s32 $0xFFFFFFFF, v19;
	vm13 =	vmand vm1, vm12;
	v36 =	vnsel vm7, $0x0, v28;
	[tilespmem:$0x460] =	vst v34  }
0x3c: {  	v30 =	vld [tilespmem:$0x80];
	vm9 =	vgt.s32 v23, $0x3;
	vm1 =	vmand vm4, vm15;
	v2 =	vsel vm13, v2, v9;
	[tilespmem:$0x660] =	vst v36  }
0x3d: {  	v54 =	vand.u32 $0xFF, v46;
	vm12 =	vne.s32 v23, $0x0;
	v31 =	vnsel vm1, $0xFFFFFF9C, v16;
	[tilespmem:$0x350] =	vst v2  }
0x3e: {  	v42 =	vld [tilespmem:$0x180];
	vm5 =	vne.s32 v26, $0x0;
	vm8 =	vgt.s32 v25, $0xFF;
	v41 =	vsel vm12, $0x1, v0;
	[tilespmem:$0x560] =	vst v31  }
0x3f: {  	v37 =	vld [tilespmem:$0x90];
	v1 =	vadd.s32 $0xFFFFFFFF, v26;
	vm6 =	vmand vm1, vm5;
	v43 =	vnsel vm12, $0x0, v35;
	[tilespmem:$0x470] =	vst v41  }
0x40: {  	vm10 =	vne.s32 v33, $0x0;
	vm1 =	vmand vm9, vm8;
	v1 =	vsel vm6, v1, v16;
	[tilespmem:$0x670] =	vst v43  }
0x41: {  	v44 =	vld [tilespmem:$0xA0];
	vm14 =	vgt.s32 v30, $0x3;
	vm5 =	vne.s32 v30, $0x0;
	v38 =	vnsel vm1, $0xFFFFFF9C, v23;
	[tilespmem:$0x360] =	vst v1  }
0x42: {  	v49 =	vld [tilespmem:$0x190];
	vm15 =	vne.s32 v40, $0x0;
	vm13 =	vgt.s32 v32, $0xFF;
	v48 =	vsel vm5, $0x1, v0;
	[tilespmem:$0x570] =	vst v38  }
0x43: {  	v53 =	vld [tilespmem:$0x2B0];
	v2 =	vadd.s32 $0xFFFFFFFF, v33;
	vm11 =	vmand vm1, vm10;
	v50 =	vnsel vm5, $0x0, v42;
	[tilespmem:$0x480] =	vst v48  }
0x44: {  	v60 =	vld [tilespmem:$0x2C0];
	vm7 =	vgt.s32 v37, $0x3;
	vm1 =	vmand vm14, vm13;
	v2 =	vsel vm11, v2, v23;
	[tilespmem:$0x680] =	vst v50  }
0x45: {  	vm8 =	vne.s32 v47, $0x0;
	vm10 =	vne.s32 v37, $0x0;
	v45 =	vnsel vm1, $0xFFFFFF9C, v30;
	[tilespmem:$0x370] =	vst v2  }
0x46: {  	v56 =	vld [tilespmem:$0x1A0];
	vm12 =	vgt.s32 v44, $0x3;
	vm6 =	vgt.s32 v39, $0xFF;
	v55 =	vsel vm10, $0x1, v0;
	[tilespmem:$0x580] =	vst v45  }
0x47: {  	v1 =	vadd.s32 $0xFFFFFFFF, v40;
	vm4 =	vmand vm1, vm15;
	v57 =	vnsel vm10, $0x0, v49;
	[tilespmem:$0x490] =	vst v55  }
0x48: {  	v51 =	vld [tilespmem:$0xB0];
	v61 =	vand.u32 $0xFF, v53;
	vm1 =	vmand vm7, vm6;
	v1 =	vsel vm4, v1, v30;
	[tilespmem:$0x690] =	vst v57  }
0x49: {  	v13 =	vand.u32 $0xFF, v60;
	vm15 =	vne.s32 v44, $0x0;
	v52 =	vnsel vm1, $0xFFFFFF9C, v37;
	[tilespmem:$0x380] =	vst v1  }
0x4a: {  	v63 =	vld [tilespmem:$0x1B0];
	v35 =	vlaneseq.u32;
	vm11 =	vgt.s32 v46, $0xFF;
	v62 =	vsel vm15, $0x1, v0;
	[tilespmem:$0x590] =	vst v52  }
0x4b: {  	v2 =	vadd.s32 $0xFFFFFFFF, v47;
	vm9 =	vmand vm1, vm8;
	v9 =	vnsel vm15, $0x0, v56;
	[tilespmem:$0x4A0] =	vst v62  }
0x4c: {  	v58 =	vld [tilespmem:$0xC0];
	vm13 =	vne.s32 v54, $0x0;
	vm1 =	vmand vm12, vm11;
	v2 =	vsel vm9, v2, v37;
	[tilespmem:$0x6A0] =	vst v9  }
0x4d: {  	v36 =	vmul.u32 $0x4, v35;
	vm8 =	vne.s32 v51, $0x0;
	v59 =	vnsel vm1, $0xFFFFFF9C, v44;
	[tilespmem:$0x390] =	vst v2  }
0x4e: {  	v15 =	vld [tilespmem:$0x1C0];
	vm4 =	vgt.s32 v53, $0xFF;
	vm5 =	vgt.s32 v51, $0x3;
	v14 =	vsel vm8, $0x1, v0;
	[tilespmem:$0x5A0] =	vst v59  }
0x4f: {  	v10 =	vld [tilespmem:$0xD0];
	v1 =	vadd.s32 $0xFFFFFFFF, v54;
	vm14 =	vmand vm1, vm13;
	v16 =	vnsel vm8, $0x0, v63;
	[tilespmem:$0x4B0] =	vst v14  }
0x50: {  	v12 =	vld [tilespmem:$0x2D0];
	vm6 =	vne.s32 v61, $0x0;
	vm1 =	vmand vm5, vm4;
	v1 =	vsel vm14, v1, v44;
	[tilespmem:$0x6B0] =	vst v16  }
0x51: {  	vm11 =	vne.s32 v13, $0x0;
	vm13 =	vne.s32 v58, $0x0;
	v11 =	vnsel vm1, $0xFFFFFF9C, v51;
	[tilespmem:$0x3A0] =	vst v1  }
0x52: {  	v22 =	vld [tilespmem:$0x1D0];
	vm9 =	vgt.s32 v60, $0xFF;
	vm10 =	vgt.s32 v58, $0x3;
	v21 =	vsel vm13, $0x1, v0;
	[tilespmem:$0x5B0] =	vst v11  }
0x53: {  	v17 =	vld [tilespmem:$0xE0];
	v2 =	vadd.s32 $0xFFFFFFFF, v61;
	vm7 =	vmand vm1, vm6;
	v23 =	vnsel vm13, $0x0, v15;
	[tilespmem:$0x4C0] =	vst v21  }
0x54: {  	v19 =	vld [tilespmem:$0x2E0];
	vm15 =	vgt.s32 v10, $0x3;
	vm1 =	vmand vm10, vm9;
	v2 =	vsel vm7, v2, v51;
	[tilespmem:$0x6C0] =	vst v23  }
0x55: {  	v28 =	vld [tilespmem:$0xF0];
	v20 =	vand.u32 $0xFF, v12;
	vm6 =	vne.s32 v10, $0x0;
	v18 =	vnsel vm1, $0xFFFFFF9C, v58;
	[tilespmem:$0x3B0] =	vst v2  }
0x56: {  	v24 =	vld [tilespmem:$0x1E0];
	v38 =	vor.u32 $0x1, v36;
	vm14 =	vgt.s32 v12, $0xFF;
	v29 =	vsel vm6, $0x1, v0;
	[tilespmem:$0x5C0] =	vst v18  }
0x57: {  	v26 =	vld [tilespmem:$0x2F0];
	v1 =	vadd.s32 $0xFFFFFFFF, v13;
	vm12 =	vmand vm1, vm11;
	v3 =	vnsel vm6, $0x0, v22;
	[tilespmem:$0x4D0] =	vst v29  }
0x58: {  	v34 =	vld [tilespmem:$0x1F0];
	vm4 =	vne.s32 v20, $0x0;
	vm1 =	vmand vm15, vm14;
	v1 =	vsel vm12, v1, v58;
	[tilespmem:$0x6D0] =	vst v3  }
0x59: {  	v27 =	vand.u32 $0xFF, v19;
	vm11 =	vne.s32 v17, $0x0;
	v25 =	vnsel vm1, $0xFFFFFF9C, v10;
	[tilespmem:$0x3C0] =	vst v1  }
0x5a: {  	vm8 =	vgt.s32 v17, $0x3;
	vm9 =	vne.s32 v27, $0x0;
	v31 =	vsel vm11, $0x1, v0;
	[tilespmem:$0x5D0] =	vst v25  }
0x5b: {  	vm13 =	vgt.s32 v28, $0x3;
	vm15 =	vne.s32 v28, $0x0;
	v32 =	vnsel vm11, $0x0, v24;
	[tilespmem:$0x4E0] =	vst v31  }
0x5c: {  	v33 =	vand.u32 $0xFF, v26;
	vm7 =	vgt.s32 v19, $0xFF;
	v0 =	vsel vm15, $0x1, v0;
	[tilespmem:$0x6E0] =	vst v32  }
0x5d: {  	v2 =	vadd.s32 $0xFFFFFFFF, v20;
	vm5 =	vmand vm1, vm4;
	v39 =	vnsel vm15, $0x0, v34;
	[tilespmem:$0x4F0] =	vst v0  }
0x5e: {  	vm1 =	vmand vm8, vm7;
	vm12 =	vgt.s32 v26, $0xFF;
	v2 =	vsel vm5, v2, v10;
	[tilespmem:$0x6F0] =	vst v39  }
0x5f: {  	v1 =	vadd.s32 $0xFFFFFFFF, v27;
	vm10 =	vmand vm1, vm9;
	v30 =	vnsel vm1, $0xFFFFFF9C, v17;
	[tilespmem:$0x3D0] =	vst v2  }
0x60: {  	vm14 =	vne.s32 v33, $0x0;
	vm0 =	vmand vm13, vm12;
	v1 =	vsel vm10, v1, v17;
	[tilespmem:$0x5E0] =	vst v30  }
0x61: {  	v37 =	vnsel vm0, $0xFFFFFF9C, v28;
	vm0 =	vmand vm0, vm14;
	[tilespmem:$0x3E0] =	vst v1;
	v1 =	vadd.s32 $0xFFFFFFFF, v33  }
0x62: {  	v40 =	vor.u32 $0x2, v36;
	[tilespmem:$0x5F0] =	vst v37;
	v1 =	vsel vm0, v1, v28  }
0x63: {  	s24 =	simm.s32 $0x600;
	[tilespmem:$0x3F0] =	vst v1  }
0x64: {  	v41 =	vor.u32 $0x3, v36;
	v0 =	vld.idx.msk [tilespmem:v36+s24+$0x0], $0xffff  }
0x65: {  	v42 =	vld.idx.msk [tilespmem:v38+s24+$0x0], $0xffff;
	_ =	sdelay $0x1  }
0x66: {  	v43 =	vld.idx.msk [tilespmem:v40+s24+$0x0], $0xffff;
	_ =	sdelay $0x1  }
0x67: {  	v44 =	vld.idx.msk [tilespmem:v41+s24+$0x0], $0xffff  }
0x68: {  	v0 =	vadd.f32 v42, v0;
	_ =	sdelay $0x1  }
0x69: {  	v0 =	vadd.f32 v43, v0;
	_ =	sdelay $0x1  }
0x6a: {  	v0 =	vadd.f32 v44, v0;
	_ =	sdelay $0x1  }
0x6b: {  	s25 =	simm.s32 $0x400;
	[tilespmem:$0x780] =	vst v0  }
0x6c: {  	v0 =	vld.idx.msk [tilespmem:v36+s25+$0x0], $0xffff  }
0x6d: {  	v3 =	vld.idx.msk [tilespmem:v38+s25+$0x0], $0xffff  }
0x6e: {  	v1 =	vld.idx.msk [tilespmem:v40+s25+$0x0], $0xffff  }
0x6f: {  	v4 =	vld.idx.msk [tilespmem:v41+s25+$0x0], $0xffff;
	_ =	sdelay $0x1  }
0x70: {  	v45 =	vor.u32 $0x40, v36  }
0x71: {  	v46 =	vor.u32 $0x41, v36;
	v0 =	vadd.s32 v0, v3  }
0x72: {  	v0 =	vadd.s32 v1, v0  }
0x73: {  	v47 =	vor.u32 $0x42, v36;
	v0 =	vadd.s32 v4, v0  }
0x74: {  	[tilespmem:$0x700] =	vst v0  }
0x75: {  	v48 =	vor.u32 $0x43, v36;
	v0 =	vld.idx.msk [tilespmem:v45+s24+$0x0], $0xffff  }
0x76: {  	v49 =	vld.idx.msk [tilespmem:v46+s24+$0x0], $0xffff;
	_ =	sdelay $0x1  }
0x77: {  	v50 =	vld.idx.msk [tilespmem:v47+s24+$0x0], $0xffff;
	_ =	sdelay $0x1  }
0x78: {  	v8 =	vld.idx.msk [tilespmem:v48+s24+$0x0], $0xffff  }
0x79: {  	v0 =	vadd.f32 v49, v0;
	_ =	sdelay $0x1  }
0x7a: {  	v0 =	vadd.f32 v50, v0;
	_ =	sdelay $0x1  }
0x7b: {  	v0 =	vadd.f32 v8, v0;
	_ =	sdelay $0x1  }
0x7c: {  	[tilespmem:$0x790] =	vst v0  }
0x7d: {  	v0 =	vld.idx.msk [tilespmem:v45+s25+$0x0], $0xffff  }
0x7e: {  	v3 =	vld.idx.msk [tilespmem:v46+s25+$0x0], $0xffff  }
0x7f: {  	v1 =	vld.idx.msk [tilespmem:v47+s25+$0x0], $0xffff  }
0x80: {  	v4 =	vld.idx.msk [tilespmem:v48+s25+$0x0], $0xffff;
	_ =	sdelay $0x1  }
0x81: {  	v51 =	vor.u32 $0x80, v36  }
0x82: {  	v52 =	vor.u32 $0x81, v36;
	v0 =	vadd.s32 v0, v3  }
0x83: {  	v0 =	vadd.s32 v1, v0  }
0x84: {  	v53 =	vor.u32 $0x82, v36;
	v0 =	vadd.s32 v4, v0  }
0x85: {  	[tilespmem:$0x710] =	vst v0  }
0x86: {  	v54 =	vor.u32 $0x83, v36;
	v0 =	vld.idx.msk [tilespmem:v51+s24+$0x0], $0xffff  }
0x87: {  	v55 =	vld.idx.msk [tilespmem:v52+s24+$0x0], $0xffff;
	_ =	sdelay $0x1  }
0x88: {  	v56 =	vld.idx.msk [tilespmem:v53+s24+$0x0], $0xffff;
	_ =	sdelay $0x1  }
0x89: {  	v57 =	vld.idx.msk [tilespmem:v54+s24+$0x0], $0xffff  }
0x8a: {  	v0 =	vadd.f32 v55, v0;
	_ =	sdelay $0x1  }
0x8b: {  	v0 =	vadd.f32 v56, v0;
	_ =	sdelay $0x1  }
0x8c: {  	v0 =	vadd.f32 v57, v0;
	_ =	sdelay $0x1  }
0x8d: {  	[tilespmem:$0x7A0] =	vst v0  }
0x8e: {  	v0 =	vld.idx.msk [tilespmem:v51+s25+$0x0], $0xffff  }
0x8f: {  	v3 =	vld.idx.msk [tilespmem:v52+s25+$0x0], $0xffff  }
0x90: {  	v1 =	vld.idx.msk [tilespmem:v53+s25+$0x0], $0xffff  }
0x91: {  	v4 =	vld.idx.msk [tilespmem:v54+s25+$0x0], $0xffff;
	_ =	sdelay $0x1  }
0x92: {  	v58 =	vor.u32 $0xC0, v36  }
0x93: {  	v59 =	vor.u32 $0xC1, v36;
	v0 =	vadd.s32 v0, v3  }
0x94: {  	v0 =	vadd.s32 v1, v0  }
0x95: {  	v60 =	vor.u32 $0xC2, v36;
	v0 =	vadd.s32 v4, v0  }
0x96: {  	[tilespmem:$0x720] =	vst v0  }
0x97: {  	v2 =	vor.u32 $0xC3, v36;
	v0 =	vld.idx.msk [tilespmem:v58+s24+$0x0], $0xffff  }
0x98: {  	v61 =	vld.idx.msk [tilespmem:v59+s24+$0x0], $0xffff;
	_ =	sdelay $0x1  }
0x99: {  	v62 =	vld.idx.msk [tilespmem:v60+s24+$0x0], $0xffff;
	_ =	sdelay $0x1  }
0x9a: {  	v63 =	vld.idx.msk [tilespmem:v2+s24+$0x0], $0xffff  }
0x9b: {  	v0 =	vadd.f32 v61, v0;
	_ =	sdelay $0x1  }
0x9c: {  	v0 =	vadd.f32 v62, v0;
	_ =	sdelay $0x1  }
0x9d: {  	v0 =	vadd.f32 v63, v0;
	_ =	sdelay $0x1  }
0x9e: {  	[tilespmem:$0x7B0] =	vst v0  }
0x9f: {  	v0 =	vld.idx.msk [tilespmem:v58+s25+$0x0], $0xffff  }
0xa0: {  	v3 =	vld.idx.msk [tilespmem:v59+s25+$0x0], $0xffff  }
0xa1: {  	v1 =	vld.idx.msk [tilespmem:v60+s25+$0x0], $0xffff  }
0xa2: {  	v2 =	vld.idx.msk [tilespmem:v2+s25+$0x0], $0xffff;
	_ =	sdelay $0x2  }
0xa3: {  	v0 =	vadd.s32 v0, v3  }
0xa4: {  	v0 =	vadd.s32 v1, v0  }
0xa5: {  	v0 =	vadd.s32 v2, v0  }
0xa6: {  	s26 =	simm.s32 $0x300;
	s7 =	sadd.s32 s7, s8;
	[tilespmem:$0x730] =	vst v0  }
0xa7: {  	[hbm4b:s7+s3] =	stream.linear.scatter [tilespmem:s26], [sflag:$0x1], $0x100, $0x38;
	[tilespmem:$0x800] =	vst v63  }
0xa8: {  	s29 =	simm.s32 $0x500;
	s28 =	sshll.u32 s1, $0x3;
	s6 =	sadd.s32 s6, s8  }
0xa9: {  	[hbm4b:s6+s3] =	stream.linear.scatter [tilespmem:s29], [sflag:$0x1], $0x100, $0x38;
	[tilespmem:$0x800] =	vst v63  }
0xaa: {  	s30 =	simm.s32 $0x700;
	s4 =	sadd.s32 s4, s28  }
0xab: {  	[hbm4b:s4+s3] =	stream.linear.scatter [tilespmem:s30], [sflag:$0x1], $0x40, $0x38;
	[tilespmem:$0x800] =	vst v63  }
0xac: {  	s31 =	simm.s32 $0x780;
	s2 =	sadd.s32 s2, s28  }
0xad: {  	[hbm4b:s2+s3] =	stream.linear.scatter [tilespmem:s31], [sflag:$0x1], $0x40, $0x38;
	[tilespmem:$0x800] =	vst v63  }
0xae: {  	_ =	swait.ge [sflag:s23], $0x100  }
0xaf: {  	[sflag:s23] =	ssyncset.done $0x0  }
0xb0: {  	[sflag:s23] =	ssyncadd.s32 $0xFFFFFF00  }
0xb1: {  	_ =	swait.ge [sflag:s23], $0x100  }
0xb2: {  	[sflag:s23] =	ssyncset.done $0x0  }
0xb3: {  	[sflag:s23] =	ssyncadd.s32 $0xFFFFFF00  }
0xb4: {  	_ =	swait.ge [sflag:s23], $0x40  }
0xb5: {  	[sflag:s23] =	ssyncset.done $0x0  }
0xb6: {  	[sflag:s23] =	ssyncadd.s32 $0xFFFFFFC0  }
0xb7: {  	_ =	swait.ge [sflag:s23], $0x40  }
0xb8: {  	[sflag:s23] =	ssyncset.done $0x0  }
0xb9: {  	[sflag:s23] =	ssyncadd.s32 $0xFFFFFFC0  }
0xba: {  	_ =	sfence.sel $0x180000  }
0xbb: {  	[bflag:$0x0] =	sbarrier.arrive $0xFFFF  }
0xbc: {  	p0 =	sne.s32 s1, $0x0;
	_ =	strace $0x90000047  }
0xbd: {  	s0 =	sadd.s32 @!p0 $0x100000, s0;
	[bflag:$0x2] =	sbarrier.arrive $0xFFFF  }
0xbe: {  	[sflag:s0] =	ssyncadd.tile.s32 @!p0 $0x1;
	_ =	shalt  }
.Lfunc_end2:
_tile_overlayer_lowered:
.L_overlay_start_2:
0xbf: {  	(tag) =	ssettag $0x2  }
0xc0: {  	s0 =	rddreg [dreg:$0x0];
	s2 =	stileid.u32  }
0xc1: {  	s1 =	rddreg [dreg:$0x1];
	p0 =	sne.s32 s2, $0x0  }
0xc2: {  	s3 =	rddreg [dreg:$0x2];
	[bflag:$0x3] =	sbarrier.arrive $0xFFFF;
	s2 =	simm.s32 @!p0 $0x1C02  }
0xc3: {  	[timem:s3], [sflag:s2] =	dma.local @!p0 [hbm:s0], s1  }
0xc4: {  	s0 =	simm.s32 @!p0 $0x2  }
0xc5: {  	_ =	swait.ge @!p0 [sflag:s0], s1  }
0xc6: {  	s1 =	ssub.s32 @!p0 $0x0, s1;
	[sflag:s0] =	ssyncset.done @!p0 $0x0  }
0xc7: {  	[sflag:s0] =	ssyncadd.s32 @!p0 s1  }
0xc8: {  	[bflag:$0x3] =	sbarrier.arrive $0xFFFF  }
0xc9: {  	_ =	shalt  }

</sc_bundles>
